<compile_context>
chip_gen: v7x
topology: tpu7x:2x2x1
jax: 0.10.2.dev20260603
libtpu: 0.0.44.dev20260713+nightly
codegen_flags: <defaults>
</compile_context>

<pallas_src>
import functools

import jax
import jax.numpy as jnp
from jax import lax
from jax.experimental import pallas as pl
from jax.experimental.pallas import tpu as pltpu
from jax.experimental.pallas import tpu_sc as plsc

B = 16384
H = 50
D = 64
N = B * H
NC = 2
NS = 16
NW = NC * NS
BPW = B // NW
PER_W = BPW * H
NBT = BPW // 128
NCHUNK = H * NBT
CL = 128 * D


TAIL0 = 999936


def _gather_kernel(idx_hbm, table_hbm, tail_hbm, out_hbm,
                   idx_v, cidx_v, cidx2_v, tail_v, g_v, ob_v,
                   sem_g0, sem_g1, sem_w0, sem_w1):
    wid = lax.axis_index("s") * NC + lax.axis_index("c")
    b0 = wid * BPW
    pltpu.sync_copy(idx_hbm.at[pl.ds(b0 * H, PER_W)], idx_v)
    pltpu.sync_copy(tail_hbm, tail_v)

    sem_g = (sem_g0, sem_g1)
    sem_w = (sem_w0, sem_w1)
    lanes = lax.iota(jnp.int32, 16)
    lanes_h = lanes * H

    def decode(i):
        return i // NBT, i % NBT

    def repack(i, s):
        h, t = decode(i)
        base = t * (128 * H) + h
        for k in range(8):
            vals = plsc.load_gather(idx_v, [lanes_h + (base + k * 16 * H)])
            cidx_v[s, pl.ds(k * 16, 16)] = vals
            cidx2_v[s, pl.ds(k * 16, 16)] = jnp.minimum(vals, TAIL0 - 1)

    def gather(i, s):
        return pltpu.make_async_copy(
            table_hbm.at[cidx2_v.at[s]], g_v.at[s], sem_g[s])

    def writeback(i, s):
        h, t = decode(i)
        return pltpu.make_async_copy(
            ob_v.at[s], out_hbm.at[h, :, wid * NBT + t], sem_w[s])

    rot = [lax.rem(lanes + j, 16) for j in range(16)]

    def transpose(i, s):
        g_s = g_v.at[s]
        ob_s = ob_v.at[s]

        def block(kcg, carry):
            k = kcg // (D // 16)
            cb = lax.rem(kcg, D // 16) * 16
            rows = lanes + k * 16
            cols = [cb + rot[j] for j in range(16)]
            vals = [plsc.load_gather(g_s, [rows, cols[j]]) for j in range(16)]
            for j in range(16):
                plsc.store_scatter(
                    ob_s,
                    [lax.shift_right_logical(cols[j], 3),
                     lax.bitwise_and(cols[j], 7), rows],
                    vals[j])
            return carry

        lax.fori_loop(0, 8 * (D // 16), block, 0)

    def fixup_tail(s):
        g_s = g_v.at[s]
        mx0 = jnp.full((16,), 0, jnp.int32)

        def accmax(k, acc):
            ck = cidx_v[s, pl.ds(k * 16, 16)]
            return jnp.maximum(acc, ck)

        mx = lax.reduce_max(lax.fori_loop(0, 8, accmax, mx0), (0,))

        @pl.when(mx >= TAIL0)
        def _():
            for k in range(8):
                ck = cidx_v[s, pl.ds(k * 16, 16)]
                msk = ck >= TAIL0
                trow = jnp.maximum(ck - TAIL0, 0)
                rows = lanes + k * 16

                def fix_c(c, carry):
                    cfull = jnp.full((16,), 0, jnp.int32) + c
                    vals = plsc.load_gather(tail_v, [trow, cfull])
                    plsc.store_scatter(g_s, [rows, cfull], vals, mask=msk)
                    return carry

                lax.fori_loop(0, D, fix_c, 0)

    for s in range(2):
        repack(s, s)
        gather(s, s).start()

    def body(i, carry):
        for s in range(2):
            c = i * 2 + s
            gather(c, s).wait()

            @pl.when(c >= 2)
            def _():
                writeback(c - 2, s).wait()

            fixup_tail(s)
            transpose(c, s)
            writeback(c, s).start()

            @pl.when(c + 2 < NCHUNK)
            def _():
                repack(c + 2, s)
                gather(c + 2, s).start()
        return carry

    lax.fori_loop(0, NCHUNK // 2, body, 0)

    for s in range(2):
        writeback(NCHUNK - 2 + s, s).wait()


NLT = 999936 // 128
BASE_BLK = NLT // NW
EXTRA = NLT - BASE_BLK * NW


def _transpose_kernel(tt_hbm, out_hbm, tin_v0, tin_v1, tout_v0, tout_v1,
                      sem_i0, sem_i1, sem_o0, sem_o1):
    tin = (tin_v0, tin_v1)
    tout = (tout_v0, tout_v1)
    wid = lax.axis_index("s") * NC + lax.axis_index("c")
    nb = BASE_BLK + jnp.where(wid < EXTRA, 1, 0)
    start = wid * BASE_BLK + jnp.minimum(wid, EXTRA)

    sem_i = (sem_i0, sem_i1)
    sem_o = (sem_o0, sem_o1)
    lanes = lax.iota(jnp.int32, 16)
    rot = [lax.rem(lanes + j, 16) for j in range(16)]

    def load(j, s):
        return pltpu.make_async_copy(
            tt_hbm.at[:, pl.ds(j * 128, 128)], tin[s], sem_i[s])

    def store(j, s):
        return pltpu.make_async_copy(
            tout[s], out_hbm.at[pl.ds(j * 8192, 8192)], sem_o[s])

    def transpose(s):
        tin_s = tin[s]
        def block(rgcg, carry):
            r0 = (rgcg // 4) * 16
            cb = lax.rem(rgcg, 4) * 16
            cols = cb + lanes
            for j in range(16):
                rows = r0 + rot[j]
                vals = plsc.load_gather(tin_s, [cols, rows])
                plsc.store_scatter(tout[s], [rows * D + cols], vals)
            return carry
        lax.fori_loop(0, 32, block, 0)

    load(start, 0).start()
    load(start + 1, 1).start()

    def main_body(i, carry):
        for s in range(2):
            b = i * 2 + s
            load(start + b, s).wait()

            @pl.when(b >= 2)
            def _():
                store(start + b - 2, s).wait()

            transpose(s)
            store(start + b, s).start()

            @pl.when(b + 2 < nb)
            def _():
                load(start + b + 2, s).start()
        return carry

    lax.fori_loop(0, nb // 2, main_body, 0)

    @pl.when(lax.rem(nb, 2) == 1)
    def _():
        b = nb - 1
        load(start + b, 0).wait()
        store(start + b - 2, 0).wait()
        transpose(0)
        store(start + b, 0).start()

    for s in range(2):
        @pl.when(nb - 2 + s >= 0)
        def _():
            store(start + nb - 2 + s, s).wait()


@jax.jit
def _table_rowmajor(tableT):
    mesh = plsc.VectorSubcoreMesh(
        core_axis_name="c", subcore_axis_name="s",
        num_cores=NC, num_subcores=NS,
    )
    run = functools.partial(
        pl.kernel,
        out_type=jax.ShapeDtypeStruct((999936 * D,), jnp.float32),
        mesh=mesh,
        scratch_types=[
            pltpu.VMEM((D, 128), jnp.float32),
            pltpu.VMEM((D, 128), jnp.float32),
            pltpu.VMEM((128 * D,), jnp.float32),
            pltpu.VMEM((128 * D,), jnp.float32),
            pltpu.SemaphoreType.DMA,
            pltpu.SemaphoreType.DMA,
            pltpu.SemaphoreType.DMA,
            pltpu.SemaphoreType.DMA,
        ],
        compiler_params=pltpu.CompilerParams(
            use_tc_tiling_on_sc=True,
            needs_layout_passes=False,
            disable_bounds_checks=True,
        ),
    )(_transpose_kernel)
    return run(tableT)


@jax.jit
def _lookup(idx_flat, table, tail_rows):
    mesh = plsc.VectorSubcoreMesh(
        core_axis_name="c", subcore_axis_name="s",
        num_cores=NC, num_subcores=NS,
    )
    run = functools.partial(
        pl.kernel,
        out_type=jax.ShapeDtypeStruct((H, 8, 128, 8, 128), jnp.float32),
        mesh=mesh,
        scratch_types=[
            pltpu.VMEM((PER_W,), jnp.int32),
            pltpu.VMEM((2, 128), jnp.int32),
            pltpu.VMEM((2, 128), jnp.int32),
            pltpu.VMEM((64, D), jnp.float32),
            pltpu.VMEM((2, 128, D), jnp.float32),
            pltpu.VMEM((2, 8, 8, 128), jnp.float32),
            pltpu.SemaphoreType.DMA,
            pltpu.SemaphoreType.DMA,
            pltpu.SemaphoreType.DMA,
            pltpu.SemaphoreType.DMA,
        ],
        compiler_params=pltpu.CompilerParams(
            use_tc_tiling_on_sc=False,
            needs_layout_passes=False,
            disable_bounds_checks=True,
        ),
    )(_gather_kernel)
    return run(idx_flat, table, tail_rows)


def kernel(item_idx, table):
    idx_flat = item_idx.reshape(N).astype(jnp.int32)
    table_lin = _table_rowmajor(table.T).reshape(999936, D)
    tail_rows = table[999936:, :]
    out_t = _lookup(idx_flat, table_lin, tail_rows)
    return out_t.transpose(2, 4, 0, 1, 3).reshape(B, H, D)

# --- scband reference (transcript-rebuilt; emitter-appended) ---
"""Pipeline reference for scband-item-19868518711821 (READ-ONLY COPY).

The authoritative reference and input builder live on the scoring server;
editing this copy changes nothing except your own understanding.
"""

import jax, jax.numpy as jnp
import numpy as np

NUM_ITEM = 1000000
EMBED_DIM = 64
BATCH = 16384
HIST = 50

def setup_inputs(seed: int = 0) -> dict:
    key = jax.random.key(seed)
    k_idx, k_tab = jax.random.split(key)
    item_idx = jax.random.randint(k_idx, (BATCH, HIST), 0, NUM_ITEM, dtype=jnp.int64) if jax.config.jax_enable_x64 else jax.random.randint(k_idx, (BATCH, HIST), 0, NUM_ITEM, dtype=jnp.int32)
    table = jax.random.normal(k_tab, (NUM_ITEM, EMBED_DIM), dtype=jnp.float32) * 0.02
    return {"item_idx": item_idx, "table": table}

def reference(item_idx, table):
    # nn.Embedding lookup: gather rows of the embedding table
    item_emb = jnp.take(table, item_idx, axis=0)
    return item_emb

if __name__ == "__main__":
    import jax
    _d = setup_inputs()
    print(jax.jit(kernel)(*tuple(_d.values())))

</pallas_src>

<mosaic_0001>
#map = affine_map<(d0, d1) -> (0, 0)>
#map1 = affine_map<(d0, d1) -> (0)>
module attributes {stable_mosaic.version = 14 : i64} {
  func.func @_transpose_kernel(%arg0: i32, %arg1: i32, %arg2: memref<64x1000000xf32, #tpu.memory_space<hbm>>, %arg3: memref<63995904xf32, #tpu.memory_space<hbm>>, %arg4: memref<64x128xf32, #tpu.memory_space<vmem>>, %arg5: memref<64x128xf32, #tpu.memory_space<vmem>>, %arg6: memref<8192xf32, #tpu.memory_space<vmem>>, %arg7: memref<8192xf32, #tpu.memory_space<vmem>>, %arg8: memref<!tpu.dma_semaphore, #tpu.memory_space<semaphore_mem>>, %arg9: memref<!tpu.dma_semaphore, #tpu.memory_space<semaphore_mem>>, %arg10: memref<!tpu.dma_semaphore, #tpu.memory_space<semaphore_mem>>, %arg11: memref<!tpu.dma_semaphore, #tpu.memory_space<semaphore_mem>>) attributes {dimension_semantics = [#tpu.dimension_semantics<core_parallel>, #tpu.dimension_semantics<subcore_parallel>], iteration_bounds = array<i64: 2, 16>, scalar_prefetch = 0 : i64, scratch_operands = 8 : i64, tpu.core_type = #tpu.core_type<sc_vector_subcore>, window_params = [{transform_indices = #map}, {transform_indices = #map1}]} {
    %mul3A = arith.constant 2 : i32
    %mul3A_0 = arith.muli %arg1, %mul3A : i32
    %add3A = arith.addi %mul3A_0, %arg0 : i32
    %lt3A = arith.constant 4 : i32
    %lt3A_1 = arith.cmpi slt, %add3A, %lt3A : i32
    %jit3A = arith.constant 1 : i32
    %jit3A_2 = arith.constant 0 : i32
    %select_n3A = arith.select %lt3A_1, %jit3A, %jit3A_2 : i32
    %add3A_3 = arith.constant 244 : i32
    %add3A_4 = arith.addi %add3A_3, %select_n3A : i32
    %mul3A_5 = arith.constant 244 : i32
    %mul3A_6 = arith.muli %add3A, %mul3A_5 : i32
    %min3A = arith.constant 4 : i32
    %min3A_7 = arith.minsi %add3A, %min3A : i32
    %add3A_8 = arith.addi %mul3A_6, %min3A_7 : i32
    %iota3A = tpu.iota {dimensions = array<i32: 0>} : vector<16xi32>
    %add3A_9 = arith.constant 0 : i32
    %add3A_10 = vector.broadcast %add3A_9 : i32 to vector<16xi32>
    %add3A_11 = arith.addi %iota3A, %add3A_10 : vector<16xi32>
    %rem3A = arith.constant 16 : i32
    %rem3A_12 = vector.broadcast %rem3A : i32 to vector<16xi32>
    %rem3A_13 = arith.remsi %add3A_11, %rem3A_12 : vector<16xi32>
    %add3A_14 = arith.constant 1 : i32
    %add3A_15 = vector.broadcast %add3A_14 : i32 to vector<16xi32>
    %add3A_16 = arith.addi %iota3A, %add3A_15 : vector<16xi32>
    %rem3A_17 = arith.constant 16 : i32
    %rem3A_18 = vector.broadcast %rem3A_17 : i32 to vector<16xi32>
    %rem3A_19 = arith.remsi %add3A_16, %rem3A_18 : vector<16xi32>
    %add3A_20 = arith.constant 2 : i32
    %add3A_21 = vector.broadcast %add3A_20 : i32 to vector<16xi32>
    %add3A_22 = arith.addi %iota3A, %add3A_21 : vector<16xi32>
    %rem3A_23 = arith.constant 16 : i32
    %rem3A_24 = vector.broadcast %rem3A_23 : i32 to vector<16xi32>
    %rem3A_25 = arith.remsi %add3A_22, %rem3A_24 : vector<16xi32>
    %add3A_26 = arith.constant 3 : i32
    %add3A_27 = vector.broadcast %add3A_26 : i32 to vector<16xi32>
    %add3A_28 = arith.addi %iota3A, %add3A_27 : vector<16xi32>
    %rem3A_29 = arith.constant 16 : i32
    %rem3A_30 = vector.broadcast %rem3A_29 : i32 to vector<16xi32>
    %rem3A_31 = arith.remsi %add3A_28, %rem3A_30 : vector<16xi32>
    %add3A_32 = arith.constant 4 : i32
    %add3A_33 = vector.broadcast %add3A_32 : i32 to vector<16xi32>
    %add3A_34 = arith.addi %iota3A, %add3A_33 : vector<16xi32>
    %rem3A_35 = arith.constant 16 : i32
    %rem3A_36 = vector.broadcast %rem3A_35 : i32 to vector<16xi32>
    %rem3A_37 = arith.remsi %add3A_34, %rem3A_36 : vector<16xi32>
    %add3A_38 = arith.constant 5 : i32
    %add3A_39 = vector.broadcast %add3A_38 : i32 to vector<16xi32>
    %add3A_40 = arith.addi %iota3A, %add3A_39 : vector<16xi32>
    %rem3A_41 = arith.constant 16 : i32
    %rem3A_42 = vector.broadcast %rem3A_41 : i32 to vector<16xi32>
    %rem3A_43 = arith.remsi %add3A_40, %rem3A_42 : vector<16xi32>
    %add3A_44 = arith.constant 6 : i32
    %add3A_45 = vector.broadcast %add3A_44 : i32 to vector<16xi32>
    %add3A_46 = arith.addi %iota3A, %add3A_45 : vector<16xi32>
    %rem3A_47 = arith.constant 16 : i32
    %rem3A_48 = vector.broadcast %rem3A_47 : i32 to vector<16xi32>
    %rem3A_49 = arith.remsi %add3A_46, %rem3A_48 : vector<16xi32>
    %add3A_50 = arith.constant 7 : i32
    %add3A_51 = vector.broadcast %add3A_50 : i32 to vector<16xi32>
    %add3A_52 = arith.addi %iota3A, %add3A_51 : vector<16xi32>
    %rem3A_53 = arith.constant 16 : i32
    %rem3A_54 = vector.broadcast %rem3A_53 : i32 to vector<16xi32>
    %rem3A_55 = arith.remsi %add3A_52, %rem3A_54 : vector<16xi32>
    %add3A_56 = arith.constant 8 : i32
    %add3A_57 = vector.broadcast %add3A_56 : i32 to vector<16xi32>
    %add3A_58 = arith.addi %iota3A, %add3A_57 : vector<16xi32>
    %rem3A_59 = arith.constant 16 : i32
    %rem3A_60 = vector.broadcast %rem3A_59 : i32 to vector<16xi32>
    %rem3A_61 = arith.remsi %add3A_58, %rem3A_60 : vector<16xi32>
    %add3A_62 = arith.constant 9 : i32
    %add3A_63 = vector.broadcast %add3A_62 : i32 to vector<16xi32>
    %add3A_64 = arith.addi %iota3A, %add3A_63 : vector<16xi32>
    %rem3A_65 = arith.constant 16 : i32
    %rem3A_66 = vector.broadcast %rem3A_65 : i32 to vector<16xi32>
    %rem3A_67 = arith.remsi %add3A_64, %rem3A_66 : vector<16xi32>
    %add3A_68 = arith.constant 10 : i32
    %add3A_69 = vector.broadcast %add3A_68 : i32 to vector<16xi32>
    %add3A_70 = arith.addi %iota3A, %add3A_69 : vector<16xi32>
    %rem3A_71 = arith.constant 16 : i32
    %rem3A_72 = vector.broadcast %rem3A_71 : i32 to vector<16xi32>
    %rem3A_73 = arith.remsi %add3A_70, %rem3A_72 : vector<16xi32>
    %add3A_74 = arith.constant 11 : i32
    %add3A_75 = vector.broadcast %add3A_74 : i32 to vector<16xi32>
    %add3A_76 = arith.addi %iota3A, %add3A_75 : vector<16xi32>
    %rem3A_77 = arith.constant 16 : i32
    %rem3A_78 = vector.broadcast %rem3A_77 : i32 to vector<16xi32>
    %rem3A_79 = arith.remsi %add3A_76, %rem3A_78 : vector<16xi32>
    %add3A_80 = arith.constant 12 : i32
    %add3A_81 = vector.broadcast %add3A_80 : i32 to vector<16xi32>
    %add3A_82 = arith.addi %iota3A, %add3A_81 : vector<16xi32>
    %rem3A_83 = arith.constant 16 : i32
    %rem3A_84 = vector.broadcast %rem3A_83 : i32 to vector<16xi32>
    %rem3A_85 = arith.remsi %add3A_82, %rem3A_84 : vector<16xi32>
    %add3A_86 = arith.constant 13 : i32
    %add3A_87 = vector.broadcast %add3A_86 : i32 to vector<16xi32>
    %add3A_88 = arith.addi %iota3A, %add3A_87 : vector<16xi32>
    %rem3A_89 = arith.constant 16 : i32
    %rem3A_90 = vector.broadcast %rem3A_89 : i32 to vector<16xi32>
    %rem3A_91 = arith.remsi %add3A_88, %rem3A_90 : vector<16xi32>
    %add3A_92 = arith.constant 14 : i32
    %add3A_93 = vector.broadcast %add3A_92 : i32 to vector<16xi32>
    %add3A_94 = arith.addi %iota3A, %add3A_93 : vector<16xi32>
    %rem3A_95 = arith.constant 16 : i32
    %rem3A_96 = vector.broadcast %rem3A_95 : i32 to vector<16xi32>
    %rem3A_97 = arith.remsi %add3A_94, %rem3A_96 : vector<16xi32>
    %add3A_98 = arith.constant 15 : i32
    %add3A_99 = vector.broadcast %add3A_98 : i32 to vector<16xi32>
    %add3A_100 = arith.addi %iota3A, %add3A_99 : vector<16xi32>
    %rem3A_101 = arith.constant 16 : i32
    %rem3A_102 = vector.broadcast %rem3A_101 : i32 to vector<16xi32>
    %rem3A_103 = arith.remsi %add3A_100, %rem3A_102 : vector<16xi32>
    %mul3A_104 = arith.constant 128 : i32
    %mul3A_105 = arith.muli %add3A_8, %mul3A_104 : i32
    %dma_start3A = arith.constant 0 : i32
    %dma_start3A_106 = tpu.memref_slice %arg2[%dma_start3A, %mul3A_105] : memref<64x1000000xf32, #tpu.memory_space<hbm>> -> memref<64x128xf32, #tpu.memory_space<hbm>>
    %dma_start3A_107 = arith.constant 0 : i32
    %dma_start3A_108 = tpu.memref_slice %arg2[%dma_start3A_107, %mul3A_105] : memref<64x1000000xf32, #tpu.memory_space<hbm>> -> memref<64x128xf32, #tpu.memory_space<hbm>>
    tpu.enqueue_dma source(%dma_start3A_108 : memref<64x128xf32, #tpu.memory_space<hbm>>) target(%arg4 : memref<64x128xf32, #tpu.memory_space<vmem>>) target_semaphore(%arg8 : memref<!tpu.dma_semaphore, #tpu.memory_space<semaphore_mem>>)
    %add3A_109 = arith.constant 1 : i32
    %add3A_110 = arith.addi %add3A_8, %add3A_109 : i32
    %mul3A_111 = arith.constant 128 : i32
    %mul3A_112 = arith.muli %add3A_110, %mul3A_111 : i32
    %dma_start3A_113 = arith.constant 0 : i32
    %dma_start3A_114 = tpu.memref_slice %arg2[%dma_start3A_113, %mul3A_112] : memref<64x1000000xf32, #tpu.memory_space<hbm>> -> memref<64x128xf32, #tpu.memory_space<hbm>>
    %dma_start3A_115 = arith.constant 0 : i32
    %dma_start3A_116 = tpu.memref_slice %arg2[%dma_start3A_115, %mul3A_112] : memref<64x1000000xf32, #tpu.memory_space<hbm>> -> memref<64x128xf32, #tpu.memory_space<hbm>>
    tpu.enqueue_dma source(%dma_start3A_116 : memref<64x128xf32, #tpu.memory_space<hbm>>) target(%arg5 : memref<64x128xf32, #tpu.memory_space<vmem>>) target_semaphore(%arg9 : memref<!tpu.dma_semaphore, #tpu.memory_space<semaphore_mem>>)
    %jit3A_117 = arith.constant 2 : i32
    %div3A = arith.divsi %add3A_4, %jit3A_117 : i32
    %sign3A = arith.constant 0 : i32
    %sign3A_118 = arith.cmpi sgt, %add3A_4, %sign3A : i32
    %sign3A_119 = arith.extui %sign3A_118 : i1 to i32
    %sign3A_120 = arith.constant 0 : i32
    %sign3A_121 = arith.cmpi slt, %add3A_4, %sign3A_120 : i32
    %sign3A_122 = arith.extui %sign3A_121 : i1 to i32
    %sign3A_123 = arith.subi %sign3A_119, %sign3A_122 : i32
    %sign3A_124 = arith.constant 0 : i32
    %sign3A_125 = arith.cmpi sgt, %jit3A_117, %sign3A_124 : i32
    %sign3A_126 = arith.extui %sign3A_125 : i1 to i32
    %sign3A_127 = arith.constant 0 : i32
    %sign3A_128 = arith.cmpi slt, %jit3A_117, %sign3A_127 : i32
    %sign3A_129 = arith.extui %sign3A_128 : i1 to i32
    %sign3A_130 = arith.subi %sign3A_126, %sign3A_129 : i32
    %ne3A = arith.cmpi ne, %sign3A_123, %sign3A_130 : i32
    %rem3A_131 = arith.remsi %add3A_4, %jit3A_117 : i32
    %ne3A_132 = arith.constant 0 : i32
    %ne3A_133 = arith.cmpi ne, %rem3A_131, %ne3A_132 : i32
    %and3A = arith.andi %ne3A, %ne3A_133 : i1
    %sub3A = arith.constant 1 : i32
    %sub3A_134 = arith.subi %div3A, %sub3A : i32
    %select_n3A_135 = arith.select %and3A, %sub3A_134, %div3A : i32
    %while3A = arith.constant 0 : i32
    %while3A_136 = arith.constant 0 : i32
    %while3A_137 = arith.subi %select_n3A_135, %while3A_136 : i32
    %while3A_138 = arith.addi %while3A_136, %while3A_137 : i32
    %while3A_139 = arith.constant 1 : i32
    %while3A_140 = arith.divsi %while3A_137, %while3A_139 : i32
    %while3A_141 = arith.muli %while3A_140, %while3A_139 : i32
    %while3A_142 = arith.addi %while3A_136, %while3A_141 : i32
    %while3A_143 = arith.constant 1 : i32
    scf.for %while3A_166 = %while3A_136 to %while3A_142 step %while3A_143  : i32 {
      %mul3A_167 = arith.constant 2 : i32
      %mul3A_168 = arith.muli %while3A_166, %mul3A_167 : i32
      %add3A_169 = arith.constant 0 : i32
      %add3A_170 = arith.addi %mul3A_168, %add3A_169 : i32
      %add3A_171 = arith.addi %add3A_8, %add3A_170 : i32
      %mul3A_172 = arith.constant 128 : i32
      %mul3A_173 = arith.muli %add3A_171, %mul3A_172 : i32
      %dma_wait3A = arith.constant 0 : i32
      %dma_wait3A_174 = tpu.memref_slice %arg2[%dma_wait3A, %mul3A_173] : memref<64x1000000xf32, #tpu.memory_space<hbm>> -> memref<64x128xf32, #tpu.memory_space<hbm>>
      %dma_wait3A_175 = arith.constant 0 : i32
      %dma_wait3A_176 = tpu.memref_slice %arg2[%dma_wait3A_175, %mul3A_173] : memref<64x1000000xf32, #tpu.memory_space<hbm>> -> memref<64x128xf32, #tpu.memory_space<hbm>>
      tpu.wait_dma2 semaphore(%arg8 : memref<!tpu.dma_semaphore, #tpu.memory_space<semaphore_mem>>) src(%dma_wait3A_176 : memref<64x128xf32, #tpu.memory_space<hbm>>) dst(%arg4 : memref<64x128xf32, #tpu.memory_space<vmem>>)
      %ge3A_177 = arith.constant 2 : i32
      %ge3A_178 = arith.cmpi sge, %add3A_170, %ge3A_177 : i32
      %convert_element_type3A_179 = arith.extui %ge3A_178 : i1 to i32
      %cond3A_180 = arith.constant 0 : i32
      %cond3A_181 = arith.cmpi ne, %convert_element_type3A_179, %cond3A_180 : i32
      scf.if %cond3A_181 {
        %add3A_231 = arith.addi %add3A_8, %add3A_170 : i32
        %sub3A_232 = arith.constant 2 : i32
        %sub3A_233 = arith.subi %add3A_231, %sub3A_232 : i32
        %mul3A_234 = arith.constant 8192 : i32
        %mul3A_235 = arith.muli %sub3A_233, %mul3A_234 : i32
        %dma_wait3A_236 = tpu.memref_slice %arg3[%mul3A_235] : memref<63995904xf32, #tpu.memory_space<hbm>> -> memref<8192xf32, #tpu.memory_space<hbm>>
        %dma_wait3A_237 = tpu.memref_slice %arg3[%mul3A_235] : memref<63995904xf32, #tpu.memory_space<hbm>> -> memref<8192xf32, #tpu.memory_space<hbm>>
        tpu.wait_dma2 semaphore(%arg10 : memref<!tpu.dma_semaphore, #tpu.memory_space<semaphore_mem>>) src(%arg6 : memref<8192xf32, #tpu.memory_space<vmem>>) dst(%dma_wait3A_237 : memref<8192xf32, #tpu.memory_space<hbm>>)
      } else {
      }
      %scan3A = arith.constant 0 : i32
      %scan3A_182 = arith.constant 0 : i32
      %scan3A_183 = arith.constant 32 : i32
      %scan3A_184 = arith.addi %scan3A_182, %scan3A_183 : i32
      %scan3A_185 = arith.constant 1 : i32
      scf.for %scan3A_231 = %scan3A_182 to %scan3A_184 step %scan3A_185  : i32 {
        %jit3A_232 = arith.constant 4 : i32
        %div3A_233 = arith.divsi %scan3A_231, %jit3A_232 : i32
        %sign3A_234 = arith.constant 0 : i32
        %sign3A_235 = arith.cmpi sgt, %scan3A_231, %sign3A_234 : i32
        %sign3A_236 = arith.extui %sign3A_235 : i1 to i32
        %sign3A_237 = arith.constant 0 : i32
        %sign3A_238 = arith.cmpi slt, %scan3A_231, %sign3A_237 : i32
        %sign3A_239 = arith.extui %sign3A_238 : i1 to i32
        %sign3A_240 = arith.subi %sign3A_236, %sign3A_239 : i32
        %sign3A_241 = arith.constant 0 : i32
        %sign3A_242 = arith.cmpi sgt, %jit3A_232, %sign3A_241 : i32
        %sign3A_243 = arith.extui %sign3A_242 : i1 to i32
        %sign3A_244 = arith.constant 0 : i32
        %sign3A_245 = arith.cmpi slt, %jit3A_232, %sign3A_244 : i32
        %sign3A_246 = arith.extui %sign3A_245 : i1 to i32
        %sign3A_247 = arith.subi %sign3A_243, %sign3A_246 : i32
        %ne3A_248 = arith.cmpi ne, %sign3A_240, %sign3A_247 : i32
        %rem3A_249 = arith.remsi %scan3A_231, %jit3A_232 : i32
        %ne3A_250 = arith.constant 0 : i32
        %ne3A_251 = arith.cmpi ne, %rem3A_249, %ne3A_250 : i32
        %and3A_252 = arith.andi %ne3A_248, %ne3A_251 : i1
        %sub3A_253 = arith.constant 1 : i32
        %sub3A_254 = arith.subi %div3A_233, %sub3A_253 : i32
        %select_n3A_255 = arith.select %and3A_252, %sub3A_254, %div3A_233 : i32
        %mul3A_256 = arith.constant 16 : i32
        %mul3A_257 = arith.muli %select_n3A_255, %mul3A_256 : i32
        %rem3A_258 = arith.constant 4 : i32
        %rem3A_259 = arith.remsi %scan3A_231, %rem3A_258 : i32
        %mul3A_260 = arith.constant 16 : i32
        %mul3A_261 = arith.muli %rem3A_259, %mul3A_260 : i32
        %add3A_262 = vector.broadcast %mul3A_261 : i32 to vector<16xi32>
        %add3A_263 = arith.addi %add3A_262, %iota3A : vector<16xi32>
        %add3A_264 = vector.broadcast %mul3A_257 : i32 to vector<16xi32>
        %add3A_265 = arith.addi %add3A_264, %rem3A_13 : vector<16xi32>
        %gather3A = tpu.vector_load_idx %arg4[%add3A_263, %add3A_265] : memref<64x128xf32, #tpu.memory_space<vmem>>[vector<16xi32>, vector<16xi32>], vector<16xf32>,
        %mul3A_266 = arith.constant 64 : i32
        %mul3A_267 = vector.broadcast %mul3A_266 : i32 to vector<16xi32>
        %mul3A_268 = arith.muli %add3A_265, %mul3A_267 : vector<16xi32>
        %add3A_269 = arith.addi %mul3A_268, %add3A_263 : vector<16xi32>
        tpu.vector_store_idx %arg6[%add3A_269], %gather3A : memref<8192xf32, #tpu.memory_space<vmem>>[vector<16xi32>], vector<16xf32>,
        %add3A_270 = vector.broadcast %mul3A_257 : i32 to vector<16xi32>
        %add3A_271 = arith.addi %add3A_270, %rem3A_19 : vector<16xi32>
        %gather3A_272 = tpu.vector_load_idx %arg4[%add3A_263, %add3A_271] : memref<64x128xf32, #tpu.memory_space<vmem>>[vector<16xi32>, vector<16xi32>], vector<16xf32>,
        %mul3A_273 = arith.constant 64 : i32
        %mul3A_274 = vector.broadcast %mul3A_273 : i32 to vector<16xi32>
        %mul3A_275 = arith.muli %add3A_271, %mul3A_274 : vector<16xi32>
        %add3A_276 = arith.addi %mul3A_275, %add3A_263 : vector<16xi32>
        tpu.vector_store_idx %arg6[%add3A_276], %gather3A_272 : memref<8192xf32, #tpu.memory_space<vmem>>[vector<16xi32>], vector<16xf32>,
        %add3A_277 = vector.broadcast %mul3A_257 : i32 to vector<16xi32>
        %add3A_278 = arith.addi %add3A_277, %rem3A_25 : vector<16xi32>
        %gather3A_279 = tpu.vector_load_idx %arg4[%add3A_263, %add3A_278] : memref<64x128xf32, #tpu.memory_space<vmem>>[vector<16xi32>, vector<16xi32>], vector<16xf32>,
        %mul3A_280 = arith.constant 64 : i32
        %mul3A_281 = vector.broadcast %mul3A_280 : i32 to vector<16xi32>
        %mul3A_282 = arith.muli %add3A_278, %mul3A_281 : vector<16xi32>
        %add3A_283 = arith.addi %mul3A_282, %add3A_263 : vector<16xi32>
        tpu.vector_store_idx %arg6[%add3A_283], %gather3A_279 : memref<8192xf32, #tpu.memory_space<vmem>>[vector<16xi32>], vector<16xf32>,
        %add3A_284 = vector.broadcast %mul3A_257 : i32 to vector<16xi32>
        %add3A_285 = arith.addi %add3A_284, %rem3A_31 : vector<16xi32>
        %gather3A_286 = tpu.vector_load_idx %arg4[%add3A_263, %add3A_285] : memref<64x128xf32, #tpu.memory_space<vmem>>[vector<16xi32>, vector<16xi32>], vector<16xf32>,
        %mul3A_287 = arith.constant 64 : i32
        %mul3A_288 = vector.broadcast %mul3A_287 : i32 to vector<16xi32>
        %mul3A_289 = arith.muli %add3A_285, %mul3A_288 : vector<16xi32>
        %add3A_290 = arith.addi %mul3A_289, %add3A_263 : vector<16xi32>
        tpu.vector_store_idx %arg6[%add3A_290], %gather3A_286 : memref<8192xf32, #tpu.memory_space<vmem>>[vector<16xi32>], vector<16xf32>,
        %add3A_291 = vector.broadcast %mul3A_257 : i32 to vector<16xi32>
        %add3A_292 = arith.addi %add3A_291, %rem3A_37 : vector<16xi32>
        %gather3A_293 = tpu.vector_load_idx %arg4[%add3A_263, %add3A_292] : memref<64x128xf32, #tpu.memory_space<vmem>>[vector<16xi32>, vector<16xi32>], vector<16xf32>,
        %mul3A_294 = arith.constant 64 : i32
        %mul3A_295 = vector.broadcast %mul3A_294 : i32 to vector<16xi32>
        %mul3A_296 = arith.muli %add3A_292, %mul3A_295 : vector<16xi32>
        %add3A_297 = arith.addi %mul3A_296, %add3A_263 : vector<16xi32>
        tpu.vector_store_idx %arg6[%add3A_297], %gather3A_293 : memref<8192xf32, #tpu.memory_space<vmem>>[vector<16xi32>], vector<16xf32>,
        %add3A_298 = vector.broadcast %mul3A_257 : i32 to vector<16xi32>
        %add3A_299 = arith.addi %add3A_298, %rem3A_43 : vector<16xi32>
        %gather3A_300 = tpu.vector_load_idx %arg4[%add3A_263, %add3A_299] : memref<64x128xf32, #tpu.memory_space<vmem>>[vector<16xi32>, vector<16xi32>], vector<16xf32>,
        %mul3A_301 = arith.constant 64 : i32
        %mul3A_302 = vector.broadcast %mul3A_301 : i32 to vector<16xi32>
        %mul3A_303 = arith.muli %add3A_299, %mul3A_302 : vector<16xi32>
        %add3A_304 = arith.addi %mul3A_303, %add3A_263 : vector<16xi32>
        tpu.vector_store_idx %arg6[%add3A_304], %gather3A_300 : memref<8192xf32, #tpu.memory_space<vmem>>[vector<16xi32>], vector<16xf32>,
        %add3A_305 = vector.broadcast %mul3A_257 : i32 to vector<16xi32>
        %add3A_306 = arith.addi %add3A_305, %rem3A_49 : vector<16xi32>
        %gather3A_307 = tpu.vector_load_idx %arg4[%add3A_263, %add3A_306] : memref<64x128xf32, #tpu.memory_space<vmem>>[vector<16xi32>, vector<16xi32>], vector<16xf32>,
        %mul3A_308 = arith.constant 64 : i32
        %mul3A_309 = vector.broadcast %mul3A_308 : i32 to vector<16xi32>
        %mul3A_310 = arith.muli %add3A_306, %mul3A_309 : vector<16xi32>
        %add3A_311 = arith.addi %mul3A_310, %add3A_263 : vector<16xi32>
        tpu.vector_store_idx %arg6[%add3A_311], %gather3A_307 : memref<8192xf32, #tpu.memory_space<vmem>>[vector<16xi32>], vector<16xf32>,
        %add3A_312 = vector.broadcast %mul3A_257 : i32 to vector<16xi32>
        %add3A_313 = arith.addi %add3A_312, %rem3A_55 : vector<16xi32>
        %gather3A_314 = tpu.vector_load_idx %arg4[%add3A_263, %add3A_313] : memref<64x128xf32, #tpu.memory_space<vmem>>[vector<16xi32>, vector<16xi32>], vector<16xf32>,
        %mul3A_315 = arith.constant 64 : i32
        %mul3A_316 = vector.broadcast %mul3A_315 : i32 to vector<16xi32>
        %mul3A_317 = arith.muli %add3A_313, %mul3A_316 : vector<16xi32>
        %add3A_318 = arith.addi %mul3A_317, %add3A_263 : vector<16xi32>
        tpu.vector_store_idx %arg6[%add3A_318], %gather3A_314 : memref<8192xf32, #tpu.memory_space<vmem>>[vector<16xi32>], vector<16xf32>,
        %add3A_319 = vector.broadcast %mul3A_257 : i32 to vector<16xi32>
        %add3A_320 = arith.addi %add3A_319, %rem3A_61 : vector<16xi32>
        %gather3A_321 = tpu.vector_load_idx %arg4[%add3A_263, %add3A_320] : memref<64x128xf32, #tpu.memory_space<vmem>>[vector<16xi32>, vector<16xi32>], vector<16xf32>,
        %mul3A_322 = arith.constant 64 : i32
        %mul3A_323 = vector.broadcast %mul3A_322 : i32 to vector<16xi32>
        %mul3A_324 = arith.muli %add3A_320, %mul3A_323 : vector<16xi32>
        %add3A_325 = arith.addi %mul3A_324, %add3A_263 : vector<16xi32>
        tpu.vector_store_idx %arg6[%add3A_325], %gather3A_321 : memref<8192xf32, #tpu.memory_space<vmem>>[vector<16xi32>], vector<16xf32>,
        %add3A_326 = vector.broadcast %mul3A_257 : i32 to vector<16xi32>
        %add3A_327 = arith.addi %add3A_326, %rem3A_67 : vector<16xi32>
        %gather3A_328 = tpu.vector_load_idx %arg4[%add3A_263, %add3A_327] : memref<64x128xf32, #tpu.memory_space<vmem>>[vector<16xi32>, vector<16xi32>], vector<16xf32>,
        %mul3A_329 = arith.constant 64 : i32
        %mul3A_330 = vector.broadcast %mul3A_329 : i32 to vector<16xi32>
        %mul3A_331 = arith.muli %add3A_327, %mul3A_330 : vector<16xi32>
        %add3A_332 = arith.addi %mul3A_331, %add3A_263 : vector<16xi32>
        tpu.vector_store_idx %arg6[%add3A_332], %gather3A_328 : memref<8192xf32, #tpu.memory_space<vmem>>[vector<16xi32>], vector<16xf32>,
        %add3A_333 = vector.broadcast %mul3A_257 : i32 to vector<16xi32>
        %add3A_334 = arith.addi %add3A_333, %rem3A_73 : vector<16xi32>
        %gather3A_335 = tpu.vector_load_idx %arg4[%add3A_263, %add3A_334] : memref<64x128xf32, #tpu.memory_space<vmem>>[vector<16xi32>, vector<16xi32>], vector<16xf32>,
        %mul3A_336 = arith.constant 64 : i32
        %mul3A_337 = vector.broadcast %mul3A_336 : i32 to vector<16xi32>
        %mul3A_338 = arith.muli %add3A_334, %mul3A_337 : vector<16xi32>
        %add3A_339 = arith.addi %mul3A_338, %add3A_263 : vector<16xi32>
        tpu.vector_store_idx %arg6[%add3A_339], %gather3A_335 : memref<8192xf32, #tpu.memory_space<vmem>>[vector<16xi32>], vector<16xf32>,
        %add3A_340 = vector.broadcast %mul3A_257 : i32 to vector<16xi32>
        %add3A_341 = arith.addi %add3A_340, %rem3A_79 : vector<16xi32>
        %gather3A_342 = tpu.vector_load_idx %arg4[%add3A_263, %add3A_341] : memref<64x128xf32, #tpu.memory_space<vmem>>[vector<16xi32>, vector<16xi32>], vector<16xf32>,
        %mul3A_343 = arith.constant 64 : i32
        %mul3A_344 = vector.broadcast %mul3A_343 : i32 to vector<16xi32>
        %mul3A_345 = arith.muli %add3A_341, %mul3A_344 : vector<16xi32>
        %add3A_346 = arith.addi %mul3A_345, %add3A_263 : vector<16xi32>
        tpu.vector_store_idx %arg6[%add3A_346], %gather3A_342 : memref<8192xf32, #tpu.memory_space<vmem>>[vector<16xi32>], vector<16xf32>,
        %add3A_347 = vector.broadcast %mul3A_257 : i32 to vector<16xi32>
        %add3A_348 = arith.addi %add3A_347, %rem3A_85 : vector<16xi32>
        %gather3A_349 = tpu.vector_load_idx %arg4[%add3A_263, %add3A_348] : memref<64x128xf32, #tpu.memory_space<vmem>>[vector<16xi32>, vector<16xi32>], vector<16xf32>,
        %mul3A_350 = arith.constant 64 : i32
        %mul3A_351 = vector.broadcast %mul3A_350 : i32 to vector<16xi32>
        %mul3A_352 = arith.muli %add3A_348, %mul3A_351 : vector<16xi32>
        %add3A_353 = arith.addi %mul3A_352, %add3A_263 : vector<16xi32>
        tpu.vector_store_idx %arg6[%add3A_353], %gather3A_349 : memref<8192xf32, #tpu.memory_space<vmem>>[vector<16xi32>], vector<16xf32>,
        %add3A_354 = vector.broadcast %mul3A_257 : i32 to vector<16xi32>
        %add3A_355 = arith.addi %add3A_354, %rem3A_91 : vector<16xi32>
        %gather3A_356 = tpu.vector_load_idx %arg4[%add3A_263, %add3A_355] : memref<64x128xf32, #tpu.memory_space<vmem>>[vector<16xi32>, vector<16xi32>], vector<16xf32>,
        %mul3A_357 = arith.constant 64 : i32
        %mul3A_358 = vector.broadcast %mul3A_357 : i32 to vector<16xi32>
        %mul3A_359 = arith.muli %add3A_355, %mul3A_358 : vector<16xi32>
        %add3A_360 = arith.addi %mul3A_359, %add3A_263 : vector<16xi32>
        tpu.vector_store_idx %arg6[%add3A_360], %gather3A_356 : memref<8192xf32, #tpu.memory_space<vmem>>[vector<16xi32>], vector<16xf32>,
        %add3A_361 = vector.broadcast %mul3A_257 : i32 to vector<16xi32>
        %add3A_362 = arith.addi %add3A_361, %rem3A_97 : vector<16xi32>
        %gather3A_363 = tpu.vector_load_idx %arg4[%add3A_263, %add3A_362] : memref<64x128xf32, #tpu.memory_space<vmem>>[vector<16xi32>, vector<16xi32>], vector<16xf32>,
        %mul3A_364 = arith.constant 64 : i32
        %mul3A_365 = vector.broadcast %mul3A_364 : i32 to vector<16xi32>
        %mul3A_366 = arith.muli %add3A_362, %mul3A_365 : vector<16xi32>
        %add3A_367 = arith.addi %mul3A_366, %add3A_263 : vector<16xi32>
        tpu.vector_store_idx %arg6[%add3A_367], %gather3A_363 : memref<8192xf32, #tpu.memory_space<vmem>>[vector<16xi32>], vector<16xf32>,
        %add3A_368 = vector.broadcast %mul3A_257 : i32 to vector<16xi32>
        %add3A_369 = arith.addi %add3A_368, %rem3A_103 : vector<16xi32>
        %gather3A_370 = tpu.vector_load_idx %arg4[%add3A_263, %add3A_369] : memref<64x128xf32, #tpu.memory_space<vmem>>[vector<16xi32>, vector<16xi32>], vector<16xf32>,
        %mul3A_371 = arith.constant 64 : i32
        %mul3A_372 = vector.broadcast %mul3A_371 : i32 to vector<16xi32>
        %mul3A_373 = arith.muli %add3A_369, %mul3A_372 : vector<16xi32>
        %add3A_374 = arith.addi %mul3A_373, %add3A_263 : vector<16xi32>
        tpu.vector_store_idx %arg6[%add3A_374], %gather3A_370 : memref<8192xf32, #tpu.memory_space<vmem>>[vector<16xi32>], vector<16xf32>,
      }
      %scan3A_186 = arith.constant 32 : i32
      %add3A_187 = arith.addi %add3A_8, %add3A_170 : i32
      %mul3A_188 = arith.constant 8192 : i32
      %mul3A_189 = arith.muli %add3A_187, %mul3A_188 : i32
      %dma_start3A_190 = tpu.memref_slice %arg3[%mul3A_189] : memref<63995904xf32, #tpu.memory_space<hbm>> -> memref<8192xf32, #tpu.memory_space<hbm>>
      %dma_start3A_191 = tpu.memref_slice %arg3[%mul3A_189] : memref<63995904xf32, #tpu.memory_space<hbm>> -> memref<8192xf32, #tpu.memory_space<hbm>>
      tpu.enqueue_dma source(%arg6 : memref<8192xf32, #tpu.memory_space<vmem>>) target(%dma_start3A_191 : memref<8192xf32, #tpu.memory_space<hbm>>) target_semaphore(%arg10 : memref<!tpu.dma_semaphore, #tpu.memory_space<semaphore_mem>>)
      %add3A_192 = arith.constant 2 : i32
      %add3A_193 = arith.addi %add3A_170, %add3A_192 : i32
      %lt3A_194 = arith.cmpi slt, %add3A_193, %add3A_4 : i32
      %convert_element_type3A_195 = arith.extui %lt3A_194 : i1 to i32
      %cond3A_196 = arith.constant 0 : i32
      %cond3A_197 = arith.cmpi ne, %convert_element_type3A_195, %cond3A_196 : i32
      scf.if %cond3A_197 {
        %add3A_231 = arith.addi %add3A_8, %add3A_170 : i32
        %add3A_232 = arith.constant 2 : i32
        %add3A_233 = arith.addi %add3A_231, %add3A_232 : i32
        %mul3A_234 = arith.constant 128 : i32
        %mul3A_235 = arith.muli %add3A_233, %mul3A_234 : i32
        %dma_start3A_236 = arith.constant 0 : i32
        %dma_start3A_237 = tpu.memref_slice %arg2[%dma_start3A_236, %mul3A_235] : memref<64x1000000xf32, #tpu.memory_space<hbm>> -> memref<64x128xf32, #tpu.memory_space<hbm>>
        %dma_start3A_238 = arith.constant 0 : i32
        %dma_start3A_239 = tpu.memref_slice %arg2[%dma_start3A_238, %mul3A_235] : memref<64x1000000xf32, #tpu.memory_space<hbm>> -> memref<64x128xf32, #tpu.memory_space<hbm>>
        tpu.enqueue_dma source(%dma_start3A_239 : memref<64x128xf32, #tpu.memory_space<hbm>>) target(%arg4 : memref<64x128xf32, #tpu.memory_space<vmem>>) target_semaphore(%arg8 : memref<!tpu.dma_semaphore, #tpu.memory_space<semaphore_mem>>)
      } else {
      }
      %mul3A_198 = arith.constant 2 : i32
      %mul3A_199 = arith.muli %while3A_166, %mul3A_198 : i32
      %add3A_200 = arith.constant 1 : i32
      %add3A_201 = arith.addi %mul3A_199, %add3A_200 : i32
      %add3A_202 = arith.addi %add3A_8, %add3A_201 : i32
      %mul3A_203 = arith.constant 128 : i32
      %mul3A_204 = arith.muli %add3A_202, %mul3A_203 : i32
      %dma_wait3A_205 = arith.constant 0 : i32
      %dma_wait3A_206 = tpu.memref_slice %arg2[%dma_wait3A_205, %mul3A_204] : memref<64x1000000xf32, #tpu.memory_space<hbm>> -> memref<64x128xf32, #tpu.memory_space<hbm>>
      %dma_wait3A_207 = arith.constant 0 : i32
      %dma_wait3A_208 = tpu.memref_slice %arg2[%dma_wait3A_207, %mul3A_204] : memref<64x1000000xf32, #tpu.memory_space<hbm>> -> memref<64x128xf32, #tpu.memory_space<hbm>>
      tpu.wait_dma2 semaphore(%arg9 : memref<!tpu.dma_semaphore, #tpu.memory_space<semaphore_mem>>) src(%dma_wait3A_208 : memref<64x128xf32, #tpu.memory_space<hbm>>) dst(%arg5 : memref<64x128xf32, #tpu.memory_space<vmem>>)
      %ge3A_209 = arith.constant 2 : i32
      %ge3A_210 = arith.cmpi sge, %add3A_201, %ge3A_209 : i32
      %convert_element_type3A_211 = arith.extui %ge3A_210 : i1 to i32
      %cond3A_212 = arith.constant 0 : i32
      %cond3A_213 = arith.cmpi ne, %convert_element_type3A_211, %cond3A_212 : i32
      scf.if %cond3A_213 {
        %add3A_231 = arith.addi %add3A_8, %add3A_201 : i32
        %sub3A_232 = arith.constant 2 : i32
        %sub3A_233 = arith.subi %add3A_231, %sub3A_232 : i32
        %mul3A_234 = arith.constant 8192 : i32
        %mul3A_235 = arith.muli %sub3A_233, %mul3A_234 : i32
        %dma_wait3A_236 = tpu.memref_slice %arg3[%mul3A_235] : memref<63995904xf32, #tpu.memory_space<hbm>> -> memref<8192xf32, #tpu.memory_space<hbm>>
        %dma_wait3A_237 = tpu.memref_slice %arg3[%mul3A_235] : memref<63995904xf32, #tpu.memory_space<hbm>> -> memref<8192xf32, #tpu.memory_space<hbm>>
        tpu.wait_dma2 semaphore(%arg11 : memref<!tpu.dma_semaphore, #tpu.memory_space<semaphore_mem>>) src(%arg7 : memref<8192xf32, #tpu.memory_space<vmem>>) dst(%dma_wait3A_237 : memref<8192xf32, #tpu.memory_space<hbm>>)
      } else {
      }
      %scan3A_214 = arith.constant 0 : i32
      %scan3A_215 = arith.constant 0 : i32
      %scan3A_216 = arith.constant 32 : i32
      %scan3A_217 = arith.addi %scan3A_215, %scan3A_216 : i32
      %scan3A_218 = arith.constant 1 : i32
      scf.for %scan3A_231 = %scan3A_215 to %scan3A_217 step %scan3A_218  : i32 {
        %jit3A_232 = arith.constant 4 : i32
        %div3A_233 = arith.divsi %scan3A_231, %jit3A_232 : i32
        %sign3A_234 = arith.constant 0 : i32
        %sign3A_235 = arith.cmpi sgt, %scan3A_231, %sign3A_234 : i32
        %sign3A_236 = arith.extui %sign3A_235 : i1 to i32
        %sign3A_237 = arith.constant 0 : i32
        %sign3A_238 = arith.cmpi slt, %scan3A_231, %sign3A_237 : i32
        %sign3A_239 = arith.extui %sign3A_238 : i1 to i32
        %sign3A_240 = arith.subi %sign3A_236, %sign3A_239 : i32
        %sign3A_241 = arith.constant 0 : i32
        %sign3A_242 = arith.cmpi sgt, %jit3A_232, %sign3A_241 : i32
        %sign3A_243 = arith.extui %sign3A_242 : i1 to i32
        %sign3A_244 = arith.constant 0 : i32
        %sign3A_245 = arith.cmpi slt, %jit3A_232, %sign3A_244 : i32
        %sign3A_246 = arith.extui %sign3A_245 : i1 to i32
        %sign3A_247 = arith.subi %sign3A_243, %sign3A_246 : i32
        %ne3A_248 = arith.cmpi ne, %sign3A_240, %sign3A_247 : i32
        %rem3A_249 = arith.remsi %scan3A_231, %jit3A_232 : i32
        %ne3A_250 = arith.constant 0 : i32
        %ne3A_251 = arith.cmpi ne, %rem3A_249, %ne3A_250 : i32
        %and3A_252 = arith.andi %ne3A_248, %ne3A_251 : i1
        %sub3A_253 = arith.constant 1 : i32
        %sub3A_254 = arith.subi %div3A_233, %sub3A_253 : i32
        %select_n3A_255 = arith.select %and3A_252, %sub3A_254, %div3A_233 : i32
        %mul3A_256 = arith.constant 16 : i32
        %mul3A_257 = arith.muli %select_n3A_255, %mul3A_256 : i32
        %rem3A_258 = arith.constant 4 : i32
        %rem3A_259 = arith.remsi %scan3A_231, %rem3A_258 : i32
        %mul3A_260 = arith.constant 16 : i32
        %mul3A_261 = arith.muli %rem3A_259, %mul3A_260 : i32
        %add3A_262 = vector.broadcast %mul3A_261 : i32 to vector<16xi32>
        %add3A_263 = arith.addi %add3A_262, %iota3A : vector<16xi32>
        %add3A_264 = vector.broadcast %mul3A_257 : i32 to vector<16xi32>
        %add3A_265 = arith.addi %add3A_264, %rem3A_13 : vector<16xi32>
        %gather3A = tpu.vector_load_idx %arg5[%add3A_263, %add3A_265] : memref<64x128xf32, #tpu.memory_space<vmem>>[vector<16xi32>, vector<16xi32>], vector<16xf32>,
        %mul3A_266 = arith.constant 64 : i32
        %mul3A_267 = vector.broadcast %mul3A_266 : i32 to vector<16xi32>
        %mul3A_268 = arith.muli %add3A_265, %mul3A_267 : vector<16xi32>
        %add3A_269 = arith.addi %mul3A_268, %add3A_263 : vector<16xi32>
        tpu.vector_store_idx %arg7[%add3A_269], %gather3A : memref<8192xf32, #tpu.memory_space<vmem>>[vector<16xi32>], vector<16xf32>,
        %add3A_270 = vector.broadcast %mul3A_257 : i32 to vector<16xi32>
        %add3A_271 = arith.addi %add3A_270, %rem3A_19 : vector<16xi32>
        %gather3A_272 = tpu.vector_load_idx %arg5[%add3A_263, %add3A_271] : memref<64x128xf32, #tpu.memory_space<vmem>>[vector<16xi32>, vector<16xi32>], vector<16xf32>,
        %mul3A_273 = arith.constant 64 : i32
        %mul3A_274 = vector.broadcast %mul3A_273 : i32 to vector<16xi32>
        %mul3A_275 = arith.muli %add3A_271, %mul3A_274 : vector<16xi32>
        %add3A_276 = arith.addi %mul3A_275, %add3A_263 : vector<16xi32>
        tpu.vector_store_idx %arg7[%add3A_276], %gather3A_272 : memref<8192xf32, #tpu.memory_space<vmem>>[vector<16xi32>], vector<16xf32>,
        %add3A_277 = vector.broadcast %mul3A_257 : i32 to vector<16xi32>
        %add3A_278 = arith.addi %add3A_277, %rem3A_25 : vector<16xi32>
        %gather3A_279 = tpu.vector_load_idx %arg5[%add3A_263, %add3A_278] : memref<64x128xf32, #tpu.memory_space<vmem>>[vector<16xi32>, vector<16xi32>], vector<16xf32>,
        %mul3A_280 = arith.constant 64 : i32
        %mul3A_281 = vector.broadcast %mul3A_280 : i32 to vector<16xi32>
        %mul3A_282 = arith.muli %add3A_278, %mul3A_281 : vector<16xi32>
        %add3A_283 = arith.addi %mul3A_282, %add3A_263 : vector<16xi32>
        tpu.vector_store_idx %arg7[%add3A_283], %gather3A_279 : memref<8192xf32, #tpu.memory_space<vmem>>[vector<16xi32>], vector<16xf32>,
        %add3A_284 = vector.broadcast %mul3A_257 : i32 to vector<16xi32>
        %add3A_285 = arith.addi %add3A_284, %rem3A_31 : vector<16xi32>
        %gather3A_286 = tpu.vector_load_idx %arg5[%add3A_263, %add3A_285] : memref<64x128xf32, #tpu.memory_space<vmem>>[vector<16xi32>, vector<16xi32>], vector<16xf32>,
        %mul3A_287 = arith.constant 64 : i32
        %mul3A_288 = vector.broadcast %mul3A_287 : i32 to vector<16xi32>
        %mul3A_289 = arith.muli %add3A_285, %mul3A_288 : vector<16xi32>
        %add3A_290 = arith.addi %mul3A_289, %add3A_263 : vector<16xi32>
        tpu.vector_store_idx %arg7[%add3A_290], %gather3A_286 : memref<8192xf32, #tpu.memory_space<vmem>>[vector<16xi32>], vector<16xf32>,
        %add3A_291 = vector.broadcast %mul3A_257 : i32 to vector<16xi32>
        %add3A_292 = arith.addi %add3A_291, %rem3A_37 : vector<16xi32>
        %gather3A_293 = tpu.vector_load_idx %arg5[%add3A_263, %add3A_292] : memref<64x128xf32, #tpu.memory_space<vmem>>[vector<16xi32>, vector<16xi32>], vector<16xf32>,
        %mul3A_294 = arith.constant 64 : i32
        %mul3A_295 = vector.broadcast %mul3A_294 : i32 to vector<16xi32>
        %mul3A_296 = arith.muli %add3A_292, %mul3A_295 : vector<16xi32>
        %add3A_297 = arith.addi %mul3A_296, %add3A_263 : vector<16xi32>
        tpu.vector_store_idx %arg7[%add3A_297], %gather3A_293 : memref<8192xf32, #tpu.memory_space<vmem>>[vector<16xi32>], vector<16xf32>,
        %add3A_298 = vector.broadcast %mul3A_257 : i32 to vector<16xi32>
        %add3A_299 = arith.addi %add3A_298, %rem3A_43 : vector<16xi32>
        %gather3A_300 = tpu.vector_load_idx %arg5[%add3A_263, %add3A_299] : memref<64x128xf32, #tpu.memory_space<vmem>>[vector<16xi32>, vector<16xi32>], vector<16xf32>,
        %mul3A_301 = arith.constant 64 : i32
        %mul3A_302 = vector.broadcast %mul3A_301 : i32 to vector<16xi32>
        %mul3A_303 = arith.muli %add3A_299, %mul3A_302 : vector<16xi32>
        %add3A_304 = arith.addi %mul3A_303, %add3A_263 : vector<16xi32>
        tpu.vector_store_idx %arg7[%add3A_304], %gather3A_300 : memref<8192xf32, #tpu.memory_space<vmem>>[vector<16xi32>], vector<16xf32>,
        %add3A_305 = vector.broadcast %mul3A_257 : i32 to vector<16xi32>
        %add3A_306 = arith.addi %add3A_305, %rem3A_49 : vector<16xi32>
        %gather3A_307 = tpu.vector_load_idx %arg5[%add3A_263, %add3A_306] : memref<64x128xf32, #tpu.memory_space<vmem>>[vector<16xi32>, vector<16xi32>], vector<16xf32>,
        %mul3A_308 = arith.constant 64 : i32
        %mul3A_309 = vector.broadcast %mul3A_308 : i32 to vector<16xi32>
        %mul3A_310 = arith.muli %add3A_306, %mul3A_309 : vector<16xi32>
        %add3A_311 = arith.addi %mul3A_310, %add3A_263 : vector<16xi32>
        tpu.vector_store_idx %arg7[%add3A_311], %gather3A_307 : memref<8192xf32, #tpu.memory_space<vmem>>[vector<16xi32>], vector<16xf32>,
        %add3A_312 = vector.broadcast %mul3A_257 : i32 to vector<16xi32>
        %add3A_313 = arith.addi %add3A_312, %rem3A_55 : vector<16xi32>
        %gather3A_314 = tpu.vector_load_idx %arg5[%add3A_263, %add3A_313] : memref<64x128xf32, #tpu.memory_space<vmem>>[vector<16xi32>, vector<16xi32>], vector<16xf32>,
        %mul3A_315 = arith.constant 64 : i32
        %mul3A_316 = vector.broadcast %mul3A_315 : i32 to vector<16xi32>
        %mul3A_317 = arith.muli %add3A_313, %mul3A_316 : vector<16xi32>
        %add3A_318 = arith.addi %mul3A_317, %add3A_263 : vector<16xi32>
        tpu.vector_store_idx %arg7[%add3A_318], %gather3A_314 : memref<8192xf32, #tpu.memory_space<vmem>>[vector<16xi32>], vector<16xf32>,
        %add3A_319 = vector.broadcast %mul3A_257 : i32 to vector<16xi32>
        %add3A_320 = arith.addi %add3A_319, %rem3A_61 : vector<16xi32>
        %gather3A_321 = tpu.vector_load_idx %arg5[%add3A_263, %add3A_320] : memref<64x128xf32, #tpu.memory_space<vmem>>[vector<16xi32>, vector<16xi32>], vector<16xf32>,
        %mul3A_322 = arith.constant 64 : i32
        %mul3A_323 = vector.broadcast %mul3A_322 : i32 to vector<16xi32>
        %mul3A_324 = arith.muli %add3A_320, %mul3A_323 : vector<16xi32>
        %add3A_325 = arith.addi %mul3A_324, %add3A_263 : vector<16xi32>
        tpu.vector_store_idx %arg7[%add3A_325], %gather3A_321 : memref<8192xf32, #tpu.memory_space<vmem>>[vector<16xi32>], vector<16xf32>,
        %add3A_326 = vector.broadcast %mul3A_257 : i32 to vector<16xi32>
        %add3A_327 = arith.addi %add3A_326, %rem3A_67 : vector<16xi32>
        %gather3A_328 = tpu.vector_load_idx %arg5[%add3A_263, %add3A_327] : memref<64x128xf32, #tpu.memory_space<vmem>>[vector<16xi32>, vector<16xi32>], vector<16xf32>,
        %mul3A_329 = arith.constant 64 : i32
        %mul3A_330 = vector.broadcast %mul3A_329 : i32 to vector<16xi32>
        %mul3A_331 = arith.muli %add3A_327, %mul3A_330 : vector<16xi32>
        %add3A_332 = arith.addi %mul3A_331, %add3A_263 : vector<16xi32>
        tpu.vector_store_idx %arg7[%add3A_332], %gather3A_328 : memref<8192xf32, #tpu.memory_space<vmem>>[vector<16xi32>], vector<16xf32>,
        %add3A_333 = vector.broadcast %mul3A_257 : i32 to vector<16xi32>
        %add3A_334 = arith.addi %add3A_333, %rem3A_73 : vector<16xi32>
        %gather3A_335 = tpu.vector_load_idx %arg5[%add3A_263, %add3A_334] : memref<64x128xf32, #tpu.memory_space<vmem>>[vector<16xi32>, vector<16xi32>], vector<16xf32>,
        %mul3A_336 = arith.constant 64 : i32
        %mul3A_337 = vector.broadcast %mul3A_336 : i32 to vector<16xi32>
        %mul3A_338 = arith.muli %add3A_334, %mul3A_337 : vector<16xi32>
        %add3A_339 = arith.addi %mul3A_338, %add3A_263 : vector<16xi32>
        tpu.vector_store_idx %arg7[%add3A_339], %gather3A_335 : memref<8192xf32, #tpu.memory_space<vmem>>[vector<16xi32>], vector<16xf32>,
        %add3A_340 = vector.broadcast %mul3A_257 : i32 to vector<16xi32>
        %add3A_341 = arith.addi %add3A_340, %rem3A_79 : vector<16xi32>
        %gather3A_342 = tpu.vector_load_idx %arg5[%add3A_263, %add3A_341] : memref<64x128xf32, #tpu.memory_space<vmem>>[vector<16xi32>, vector<16xi32>], vector<16xf32>,
        %mul3A_343 = arith.constant 64 : i32
        %mul3A_344 = vector.broadcast %mul3A_343 : i32 to vector<16xi32>
        %mul3A_345 = arith.muli %add3A_341, %mul3A_344 : vector<16xi32>
        %add3A_346 = arith.addi %mul3A_345, %add3A_263 : vector<16xi32>
        tpu.vector_store_idx %arg7[%add3A_346], %gather3A_342 : memref<8192xf32, #tpu.memory_space<vmem>>[vector<16xi32>], vector<16xf32>,
        %add3A_347 = vector.broadcast %mul3A_257 : i32 to vector<16xi32>
        %add3A_348 = arith.addi %add3A_347, %rem3A_85 : vector<16xi32>
        %gather3A_349 = tpu.vector_load_idx %arg5[%add3A_263, %add3A_348] : memref<64x128xf32, #tpu.memory_space<vmem>>[vector<16xi32>, vector<16xi32>], vector<16xf32>,
        %mul3A_350 = arith.constant 64 : i32
        %mul3A_351 = vector.broadcast %mul3A_350 : i32 to vector<16xi32>
        %mul3A_352 = arith.muli %add3A_348, %mul3A_351 : vector<16xi32>
        %add3A_353 = arith.addi %mul3A_352, %add3A_263 : vector<16xi32>
        tpu.vector_store_idx %arg7[%add3A_353], %gather3A_349 : memref<8192xf32, #tpu.memory_space<vmem>>[vector<16xi32>], vector<16xf32>,
        %add3A_354 = vector.broadcast %mul3A_257 : i32 to vector<16xi32>
        %add3A_355 = arith.addi %add3A_354, %rem3A_91 : vector<16xi32>
        %gather3A_356 = tpu.vector_load_idx %arg5[%add3A_263, %add3A_355] : memref<64x128xf32, #tpu.memory_space<vmem>>[vector<16xi32>, vector<16xi32>], vector<16xf32>,
        %mul3A_357 = arith.constant 64 : i32
        %mul3A_358 = vector.broadcast %mul3A_357 : i32 to vector<16xi32>
        %mul3A_359 = arith.muli %add3A_355, %mul3A_358 : vector<16xi32>
        %add3A_360 = arith.addi %mul3A_359, %add3A_263 : vector<16xi32>
        tpu.vector_store_idx %arg7[%add3A_360], %gather3A_356 : memref<8192xf32, #tpu.memory_space<vmem>>[vector<16xi32>], vector<16xf32>,
        %add3A_361 = vector.broadcast %mul3A_257 : i32 to vector<16xi32>
        %add3A_362 = arith.addi %add3A_361, %rem3A_97 : vector<16xi32>
        %gather3A_363 = tpu.vector_load_idx %arg5[%add3A_263, %add3A_362] : memref<64x128xf32, #tpu.memory_space<vmem>>[vector<16xi32>, vector<16xi32>], vector<16xf32>,
        %mul3A_364 = arith.constant 64 : i32
        %mul3A_365 = vector.broadcast %mul3A_364 : i32 to vector<16xi32>
        %mul3A_366 = arith.muli %add3A_362, %mul3A_365 : vector<16xi32>
        %add3A_367 = arith.addi %mul3A_366, %add3A_263 : vector<16xi32>
        tpu.vector_store_idx %arg7[%add3A_367], %gather3A_363 : memref<8192xf32, #tpu.memory_space<vmem>>[vector<16xi32>], vector<16xf32>,
        %add3A_368 = vector.broadcast %mul3A_257 : i32 to vector<16xi32>
        %add3A_369 = arith.addi %add3A_368, %rem3A_103 : vector<16xi32>
        %gather3A_370 = tpu.vector_load_idx %arg5[%add3A_263, %add3A_369] : memref<64x128xf32, #tpu.memory_space<vmem>>[vector<16xi32>, vector<16xi32>], vector<16xf32>,
        %mul3A_371 = arith.constant 64 : i32
        %mul3A_372 = vector.broadcast %mul3A_371 : i32 to vector<16xi32>
        %mul3A_373 = arith.muli %add3A_369, %mul3A_372 : vector<16xi32>
        %add3A_374 = arith.addi %mul3A_373, %add3A_263 : vector<16xi32>
        tpu.vector_store_idx %arg7[%add3A_374], %gather3A_370 : memref<8192xf32, #tpu.memory_space<vmem>>[vector<16xi32>], vector<16xf32>,
      }
      %scan3A_219 = arith.constant 32 : i32
      %add3A_220 = arith.addi %add3A_8, %add3A_201 : i32
      %mul3A_221 = arith.constant 8192 : i32
      %mul3A_222 = arith.muli %add3A_220, %mul3A_221 : i32
      %dma_start3A_223 = tpu.memref_slice %arg3[%mul3A_222] : memref<63995904xf32, #tpu.memory_space<hbm>> -> memref<8192xf32, #tpu.memory_space<hbm>>
      %dma_start3A_224 = tpu.memref_slice %arg3[%mul3A_222] : memref<63995904xf32, #tpu.memory_space<hbm>> -> memref<8192xf32, #tpu.memory_space<hbm>>
      tpu.enqueue_dma source(%arg7 : memref<8192xf32, #tpu.memory_space<vmem>>) target(%dma_start3A_224 : memref<8192xf32, #tpu.memory_space<hbm>>) target_semaphore(%arg11 : memref<!tpu.dma_semaphore, #tpu.memory_space<semaphore_mem>>)
      %add3A_225 = arith.constant 2 : i32
      %add3A_226 = arith.addi %add3A_201, %add3A_225 : i32
      %lt3A_227 = arith.cmpi slt, %add3A_226, %add3A_4 : i32
      %convert_element_type3A_228 = arith.extui %lt3A_227 : i1 to i32
      %cond3A_229 = arith.constant 0 : i32
      %cond3A_230 = arith.cmpi ne, %convert_element_type3A_228, %cond3A_229 : i32
      scf.if %cond3A_230 {
        %add3A_231 = arith.addi %add3A_8, %add3A_201 : i32
        %add3A_232 = arith.constant 2 : i32
        %add3A_233 = arith.addi %add3A_231, %add3A_232 : i32
        %mul3A_234 = arith.constant 128 : i32
        %mul3A_235 = arith.muli %add3A_233, %mul3A_234 : i32
        %dma_start3A_236 = arith.constant 0 : i32
        %dma_start3A_237 = tpu.memref_slice %arg2[%dma_start3A_236, %mul3A_235] : memref<64x1000000xf32, #tpu.memory_space<hbm>> -> memref<64x128xf32, #tpu.memory_space<hbm>>
        %dma_start3A_238 = arith.constant 0 : i32
        %dma_start3A_239 = tpu.memref_slice %arg2[%dma_start3A_238, %mul3A_235] : memref<64x1000000xf32, #tpu.memory_space<hbm>> -> memref<64x128xf32, #tpu.memory_space<hbm>>
        tpu.enqueue_dma source(%dma_start3A_239 : memref<64x128xf32, #tpu.memory_space<hbm>>) target(%arg5 : memref<64x128xf32, #tpu.memory_space<vmem>>) target_semaphore(%arg9 : memref<!tpu.dma_semaphore, #tpu.memory_space<semaphore_mem>>)
      } else {
      }
    }
    %while3A_144 = arith.constant 1 : i32
    scf.for %while3A_166 = %while3A_142 to %while3A_138 step %while3A_144  : i32 {
      %mul3A_167 = arith.constant 2 : i32
      %mul3A_168 = arith.muli %while3A_166, %mul3A_167 : i32
      %add3A_169 = arith.constant 0 : i32
      %add3A_170 = arith.addi %mul3A_168, %add3A_169 : i32
      %add3A_171 = arith.addi %add3A_8, %add3A_170 : i32
      %mul3A_172 = arith.constant 128 : i32
      %mul3A_173 = arith.muli %add3A_171, %mul3A_172 : i32
      %dma_wait3A = arith.constant 0 : i32
      %dma_wait3A_174 = tpu.memref_slice %arg2[%dma_wait3A, %mul3A_173] : memref<64x1000000xf32, #tpu.memory_space<hbm>> -> memref<64x128xf32, #tpu.memory_space<hbm>>
      %dma_wait3A_175 = arith.constant 0 : i32
      %dma_wait3A_176 = tpu.memref_slice %arg2[%dma_wait3A_175, %mul3A_173] : memref<64x1000000xf32, #tpu.memory_space<hbm>> -> memref<64x128xf32, #tpu.memory_space<hbm>>
      tpu.wait_dma2 semaphore(%arg8 : memref<!tpu.dma_semaphore, #tpu.memory_space<semaphore_mem>>) src(%dma_wait3A_176 : memref<64x128xf32, #tpu.memory_space<hbm>>) dst(%arg4 : memref<64x128xf32, #tpu.memory_space<vmem>>)
      %ge3A_177 = arith.constant 2 : i32
      %ge3A_178 = arith.cmpi sge, %add3A_170, %ge3A_177 : i32
      %convert_element_type3A_179 = arith.extui %ge3A_178 : i1 to i32
      %cond3A_180 = arith.constant 0 : i32
      %cond3A_181 = arith.cmpi ne, %convert_element_type3A_179, %cond3A_180 : i32
      scf.if %cond3A_181 {
        %add3A_231 = arith.addi %add3A_8, %add3A_170 : i32
        %sub3A_232 = arith.constant 2 : i32
        %sub3A_233 = arith.subi %add3A_231, %sub3A_232 : i32
        %mul3A_234 = arith.constant 8192 : i32
        %mul3A_235 = arith.muli %sub3A_233, %mul3A_234 : i32
        %dma_wait3A_236 = tpu.memref_slice %arg3[%mul3A_235] : memref<63995904xf32, #tpu.memory_space<hbm>> -> memref<8192xf32, #tpu.memory_space<hbm>>
        %dma_wait3A_237 = tpu.memref_slice %arg3[%mul3A_235] : memref<63995904xf32, #tpu.memory_space<hbm>> -> memref<8192xf32, #tpu.memory_space<hbm>>
        tpu.wait_dma2 semaphore(%arg10 : memref<!tpu.dma_semaphore, #tpu.memory_space<semaphore_mem>>) src(%arg6 : memref<8192xf32, #tpu.memory_space<vmem>>) dst(%dma_wait3A_237 : memref<8192xf32, #tpu.memory_space<hbm>>)
      } else {
      }
      %scan3A = arith.constant 0 : i32
      %scan3A_182 = arith.constant 0 : i32
      %scan3A_183 = arith.constant 32 : i32
      %scan3A_184 = arith.addi %scan3A_182, %scan3A_183 : i32
      %scan3A_185 = arith.constant 1 : i32
      scf.for %scan3A_231 = %scan3A_182 to %scan3A_184 step %scan3A_185  : i32 {
        %jit3A_232 = arith.constant 4 : i32
        %div3A_233 = arith.divsi %scan3A_231, %jit3A_232 : i32
        %sign3A_234 = arith.constant 0 : i32
        %sign3A_235 = arith.cmpi sgt, %scan3A_231, %sign3A_234 : i32
        %sign3A_236 = arith.extui %sign3A_235 : i1 to i32
        %sign3A_237 = arith.constant 0 : i32
        %sign3A_238 = arith.cmpi slt, %scan3A_231, %sign3A_237 : i32
        %sign3A_239 = arith.extui %sign3A_238 : i1 to i32
        %sign3A_240 = arith.subi %sign3A_236, %sign3A_239 : i32
        %sign3A_241 = arith.constant 0 : i32
        %sign3A_242 = arith.cmpi sgt, %jit3A_232, %sign3A_241 : i32
        %sign3A_243 = arith.extui %sign3A_242 : i1 to i32
        %sign3A_244 = arith.constant 0 : i32
        %sign3A_245 = arith.cmpi slt, %jit3A_232, %sign3A_244 : i32
        %sign3A_246 = arith.extui %sign3A_245 : i1 to i32
        %sign3A_247 = arith.subi %sign3A_243, %sign3A_246 : i32
        %ne3A_248 = arith.cmpi ne, %sign3A_240, %sign3A_247 : i32
        %rem3A_249 = arith.remsi %scan3A_231, %jit3A_232 : i32
        %ne3A_250 = arith.constant 0 : i32
        %ne3A_251 = arith.cmpi ne, %rem3A_249, %ne3A_250 : i32
        %and3A_252 = arith.andi %ne3A_248, %ne3A_251 : i1
        %sub3A_253 = arith.constant 1 : i32
        %sub3A_254 = arith.subi %div3A_233, %sub3A_253 : i32
        %select_n3A_255 = arith.select %and3A_252, %sub3A_254, %div3A_233 : i32
        %mul3A_256 = arith.constant 16 : i32
        %mul3A_257 = arith.muli %select_n3A_255, %mul3A_256 : i32
        %rem3A_258 = arith.constant 4 : i32
        %rem3A_259 = arith.remsi %scan3A_231, %rem3A_258 : i32
        %mul3A_260 = arith.constant 16 : i32
        %mul3A_261 = arith.muli %rem3A_259, %mul3A_260 : i32
        %add3A_262 = vector.broadcast %mul3A_261 : i32 to vector<16xi32>
        %add3A_263 = arith.addi %add3A_262, %iota3A : vector<16xi32>
        %add3A_264 = vector.broadcast %mul3A_257 : i32 to vector<16xi32>
        %add3A_265 = arith.addi %add3A_264, %rem3A_13 : vector<16xi32>
        %gather3A = tpu.vector_load_idx %arg4[%add3A_263, %add3A_265] : memref<64x128xf32, #tpu.memory_space<vmem>>[vector<16xi32>, vector<16xi32>], vector<16xf32>,
        %mul3A_266 = arith.constant 64 : i32
        %mul3A_267 = vector.broadcast %mul3A_266 : i32 to vector<16xi32>
        %mul3A_268 = arith.muli %add3A_265, %mul3A_267 : vector<16xi32>
        %add3A_269 = arith.addi %mul3A_268, %add3A_263 : vector<16xi32>
        tpu.vector_store_idx %arg6[%add3A_269], %gather3A : memref<8192xf32, #tpu.memory_space<vmem>>[vector<16xi32>], vector<16xf32>,
        %add3A_270 = vector.broadcast %mul3A_257 : i32 to vector<16xi32>
        %add3A_271 = arith.addi %add3A_270, %rem3A_19 : vector<16xi32>
        %gather3A_272 = tpu.vector_load_idx %arg4[%add3A_263, %add3A_271] : memref<64x128xf32, #tpu.memory_space<vmem>>[vector<16xi32>, vector<16xi32>], vector<16xf32>,
        %mul3A_273 = arith.constant 64 : i32
        %mul3A_274 = vector.broadcast %mul3A_273 : i32 to vector<16xi32>
        %mul3A_275 = arith.muli %add3A_271, %mul3A_274 : vector<16xi32>
        %add3A_276 = arith.addi %mul3A_275, %add3A_263 : vector<16xi32>
        tpu.vector_store_idx %arg6[%add3A_276], %gather3A_272 : memref<8192xf32, #tpu.memory_space<vmem>>[vector<16xi32>], vector<16xf32>,
        %add3A_277 = vector.broadcast %mul3A_257 : i32 to vector<16xi32>
        %add3A_278 = arith.addi %add3A_277, %rem3A_25 : vector<16xi32>
        %gather3A_279 = tpu.vector_load_idx %arg4[%add3A_263, %add3A_278] : memref<64x128xf32, #tpu.memory_space<vmem>>[vector<16xi32>, vector<16xi32>], vector<16xf32>,
        %mul3A_280 = arith.constant 64 : i32
        %mul3A_281 = vector.broadcast %mul3A_280 : i32 to vector<16xi32>
        %mul3A_282 = arith.muli %add3A_278, %mul3A_281 : vector<16xi32>
        %add3A_283 = arith.addi %mul3A_282, %add3A_263 : vector<16xi32>
        tpu.vector_store_idx %arg6[%add3A_283], %gather3A_279 : memref<8192xf32, #tpu.memory_space<vmem>>[vector<16xi32>], vector<16xf32>,
        %add3A_284 = vector.broadcast %mul3A_257 : i32 to vector<16xi32>
        %add3A_285 = arith.addi %add3A_284, %rem3A_31 : vector<16xi32>
        %gather3A_286 = tpu.vector_load_idx %arg4[%add3A_263, %add3A_285] : memref<64x128xf32, #tpu.memory_space<vmem>>[vector<16xi32>, vector<16xi32>], vector<16xf32>,
        %mul3A_287 = arith.constant 64 : i32
        %mul3A_288 = vector.broadcast %mul3A_287 : i32 to vector<16xi32>
        %mul3A_289 = arith.muli %add3A_285, %mul3A_288 : vector<16xi32>
        %add3A_290 = arith.addi %mul3A_289, %add3A_263 : vector<16xi32>
        tpu.vector_store_idx %arg6[%add3A_290], %gather3A_286 : memref<8192xf32, #tpu.memory_space<vmem>>[vector<16xi32>], vector<16xf32>,
        %add3A_291 = vector.broadcast %mul3A_257 : i32 to vector<16xi32>
        %add3A_292 = arith.addi %add3A_291, %rem3A_37 : vector<16xi32>
        %gather3A_293 = tpu.vector_load_idx %arg4[%add3A_263, %add3A_292] : memref<64x128xf32, #tpu.memory_space<vmem>>[vector<16xi32>, vector<16xi32>], vector<16xf32>,
        %mul3A_294 = arith.constant 64 : i32
        %mul3A_295 = vector.broadcast %mul3A_294 : i32 to vector<16xi32>
        %mul3A_296 = arith.muli %add3A_292, %mul3A_295 : vector<16xi32>
        %add3A_297 = arith.addi %mul3A_296, %add3A_263 : vector<16xi32>
        tpu.vector_store_idx %arg6[%add3A_297], %gather3A_293 : memref<8192xf32, #tpu.memory_space<vmem>>[vector<16xi32>], vector<16xf32>,
        %add3A_298 = vector.broadcast %mul3A_257 : i32 to vector<16xi32>
        %add3A_299 = arith.addi %add3A_298, %rem3A_43 : vector<16xi32>
        %gather3A_300 = tpu.vector_load_idx %arg4[%add3A_263, %add3A_299] : memref<64x128xf32, #tpu.memory_space<vmem>>[vector<16xi32>, vector<16xi32>], vector<16xf32>,
        %mul3A_301 = arith.constant 64 : i32
        %mul3A_302 = vector.broadcast %mul3A_301 : i32 to vector<16xi32>
        %mul3A_303 = arith.muli %add3A_299, %mul3A_302 : vector<16xi32>
        %add3A_304 = arith.addi %mul3A_303, %add3A_263 : vector<16xi32>
        tpu.vector_store_idx %arg6[%add3A_304], %gather3A_300 : memref<8192xf32, #tpu.memory_space<vmem>>[vector<16xi32>], vector<16xf32>,
        %add3A_305 = vector.broadcast %mul3A_257 : i32 to vector<16xi32>
        %add3A_306 = arith.addi %add3A_305, %rem3A_49 : vector<16xi32>
        %gather3A_307 = tpu.vector_load_idx %arg4[%add3A_263, %add3A_306] : memref<64x128xf32, #tpu.memory_space<vmem>>[vector<16xi32>, vector<16xi32>], vector<16xf32>,
        %mul3A_308 = arith.constant 64 : i32
        %mul3A_309 = vector.broadcast %mul3A_308 : i32 to vector<16xi32>
        %mul3A_310 = arith.muli %add3A_306, %mul3A_309 : vector<16xi32>
        %add3A_311 = arith.addi %mul3A_310, %add3A_263 : vector<16xi32>
        tpu.vector_store_idx %arg6[%add3A_311], %gather3A_307 : memref<8192xf32, #tpu.memory_space<vmem>>[vector<16xi32>], vector<16xf32>,
        %add3A_312 = vector.broadcast %mul3A_257 : i32 to vector<16xi32>
        %add3A_313 = arith.addi %add3A_312, %rem3A_55 : vector<16xi32>
        %gather3A_314 = tpu.vector_load_idx %arg4[%add3A_263, %add3A_313] : memref<64x128xf32, #tpu.memory_space<vmem>>[vector<16xi32>, vector<16xi32>], vector<16xf32>,
        %mul3A_315 = arith.constant 64 : i32
        %mul3A_316 = vector.broadcast %mul3A_315 : i32 to vector<16xi32>
        %mul3A_317 = arith.muli %add3A_313, %mul3A_316 : vector<16xi32>
        %add3A_318 = arith.addi %mul3A_317, %add3A_263 : vector<16xi32>
        tpu.vector_store_idx %arg6[%add3A_318], %gather3A_314 : memref<8192xf32, #tpu.memory_space<vmem>>[vector<16xi32>], vector<16xf32>,
        %add3A_319 = vector.broadcast %mul3A_257 : i32 to vector<16xi32>
        %add3A_320 = arith.addi %add3A_319, %rem3A_61 : vector<16xi32>
        %gather3A_321 = tpu.vector_load_idx %arg4[%add3A_263, %add3A_320] : memref<64x128xf32, #tpu.memory_space<vmem>>[vector<16xi32>, vector<16xi32>], vector<16xf32>,
        %mul3A_322 = arith.constant 64 : i32
        %mul3A_323 = vector.broadcast %mul3A_322 : i32 to vector<16xi32>
        %mul3A_324 = arith.muli %add3A_320, %mul3A_323 : vector<16xi32>
        %add3A_325 = arith.addi %mul3A_324, %add3A_263 : vector<16xi32>
        tpu.vector_store_idx %arg6[%add3A_325], %gather3A_321 : memref<8192xf32, #tpu.memory_space<vmem>>[vector<16xi32>], vector<16xf32>,
        %add3A_326 = vector.broadcast %mul3A_257 : i32 to vector<16xi32>
        %add3A_327 = arith.addi %add3A_326, %rem3A_67 : vector<16xi32>
        %gather3A_328 = tpu.vector_load_idx %arg4[%add3A_263, %add3A_327] : memref<64x128xf32, #tpu.memory_space<vmem>>[vector<16xi32>, vector<16xi32>], vector<16xf32>,
        %mul3A_329 = arith.constant 64 : i32
        %mul3A_330 = vector.broadcast %mul3A_329 : i32 to vector<16xi32>
        %mul3A_331 = arith.muli %add3A_327, %mul3A_330 : vector<16xi32>
        %add3A_332 = arith.addi %mul3A_331, %add3A_263 : vector<16xi32>
        tpu.vector_store_idx %arg6[%add3A_332], %gather3A_328 : memref<8192xf32, #tpu.memory_space<vmem>>[vector<16xi32>], vector<16xf32>,
        %add3A_333 = vector.broadcast %mul3A_257 : i32 to vector<16xi32>
        %add3A_334 = arith.addi %add3A_333, %rem3A_73 : vector<16xi32>
        %gather3A_335 = tpu.vector_load_idx %arg4[%add3A_263, %add3A_334] : memref<64x128xf32, #tpu.memory_space<vmem>>[vector<16xi32>, vector<16xi32>], vector<16xf32>,
        %mul3A_336 = arith.constant 64 : i32
        %mul3A_337 = vector.broadcast %mul3A_336 : i32 to vector<16xi32>
        %mul3A_338 = arith.muli %add3A_334, %mul3A_337 : vector<16xi32>
        %add3A_339 = arith.addi %mul3A_338, %add3A_263 : vector<16xi32>
        tpu.vector_store_idx %arg6[%add3A_339], %gather3A_335 : memref<8192xf32, #tpu.memory_space<vmem>>[vector<16xi32>], vector<16xf32>,
        %add3A_340 = vector.broadcast %mul3A_257 : i32 to vector<16xi32>
        %add3A_341 = arith.addi %add3A_340, %rem3A_79 : vector<16xi32>
        %gather3A_342 = tpu.vector_load_idx %arg4[%add3A_263, %add3A_341] : memref<64x128xf32, #tpu.memory_space<vmem>>[vector<16xi32>, vector<16xi32>], vector<16xf32>,
        %mul3A_343 = arith.constant 64 : i32
        %mul3A_344 = vector.broadcast %mul3A_343 : i32 to vector<16xi32>
        %mul3A_345 = arith.muli %add3A_341, %mul3A_344 : vector<16xi32>
        %add3A_346 = arith.addi %mul3A_345, %add3A_263 : vector<16xi32>
        tpu.vector_store_idx %arg6[%add3A_346], %gather3A_342 : memref<8192xf32, #tpu.memory_space<vmem>>[vector<16xi32>], vector<16xf32>,
        %add3A_347 = vector.broadcast %mul3A_257 : i32 to vector<16xi32>
        %add3A_348 = arith.addi %add3A_347, %rem3A_85 : vector<16xi32>
        %gather3A_349 = tpu.vector_load_idx %arg4[%add3A_263, %add3A_348] : memref<64x128xf32, #tpu.memory_space<vmem>>[vector<16xi32>, vector<16xi32>], vector<16xf32>,
        %mul3A_350 = arith.constant 64 : i32
        %mul3A_351 = vector.broadcast %mul3A_350 : i32 to vector<16xi32>
        %mul3A_352 = arith.muli %add3A_348, %mul3A_351 : vector<16xi32>
        %add3A_353 = arith.addi %mul3A_352, %add3A_263 : vector<16xi32>
        tpu.vector_store_idx %arg6[%add3A_353], %gather3A_349 : memref<8192xf32, #tpu.memory_space<vmem>>[vector<16xi32>], vector<16xf32>,
        %add3A_354 = vector.broadcast %mul3A_257 : i32 to vector<16xi32>
        %add3A_355 = arith.addi %add3A_354, %rem3A_91 : vector<16xi32>
        %gather3A_356 = tpu.vector_load_idx %arg4[%add3A_263, %add3A_355] : memref<64x128xf32, #tpu.memory_space<vmem>>[vector<16xi32>, vector<16xi32>], vector<16xf32>,
        %mul3A_357 = arith.constant 64 : i32
        %mul3A_358 = vector.broadcast %mul3A_357 : i32 to vector<16xi32>
        %mul3A_359 = arith.muli %add3A_355, %mul3A_358 : vector<16xi32>
        %add3A_360 = arith.addi %mul3A_359, %add3A_263 : vector<16xi32>
        tpu.vector_store_idx %arg6[%add3A_360], %gather3A_356 : memref<8192xf32, #tpu.memory_space<vmem>>[vector<16xi32>], vector<16xf32>,
        %add3A_361 = vector.broadcast %mul3A_257 : i32 to vector<16xi32>
        %add3A_362 = arith.addi %add3A_361, %rem3A_97 : vector<16xi32>
        %gather3A_363 = tpu.vector_load_idx %arg4[%add3A_263, %add3A_362] : memref<64x128xf32, #tpu.memory_space<vmem>>[vector<16xi32>, vector<16xi32>], vector<16xf32>,
        %mul3A_364 = arith.constant 64 : i32
        %mul3A_365 = vector.broadcast %mul3A_364 : i32 to vector<16xi32>
        %mul3A_366 = arith.muli %add3A_362, %mul3A_365 : vector<16xi32>
        %add3A_367 = arith.addi %mul3A_366, %add3A_263 : vector<16xi32>
        tpu.vector_store_idx %arg6[%add3A_367], %gather3A_363 : memref<8192xf32, #tpu.memory_space<vmem>>[vector<16xi32>], vector<16xf32>,
        %add3A_368 = vector.broadcast %mul3A_257 : i32 to vector<16xi32>
        %add3A_369 = arith.addi %add3A_368, %rem3A_103 : vector<16xi32>
        %gather3A_370 = tpu.vector_load_idx %arg4[%add3A_263, %add3A_369] : memref<64x128xf32, #tpu.memory_space<vmem>>[vector<16xi32>, vector<16xi32>], vector<16xf32>,
        %mul3A_371 = arith.constant 64 : i32
        %mul3A_372 = vector.broadcast %mul3A_371 : i32 to vector<16xi32>
        %mul3A_373 = arith.muli %add3A_369, %mul3A_372 : vector<16xi32>
        %add3A_374 = arith.addi %mul3A_373, %add3A_263 : vector<16xi32>
        tpu.vector_store_idx %arg6[%add3A_374], %gather3A_370 : memref<8192xf32, #tpu.memory_space<vmem>>[vector<16xi32>], vector<16xf32>,
      }
      %scan3A_186 = arith.constant 32 : i32
      %add3A_187 = arith.addi %add3A_8, %add3A_170 : i32
      %mul3A_188 = arith.constant 8192 : i32
      %mul3A_189 = arith.muli %add3A_187, %mul3A_188 : i32
      %dma_start3A_190 = tpu.memref_slice %arg3[%mul3A_189] : memref<63995904xf32, #tpu.memory_space<hbm>> -> memref<8192xf32, #tpu.memory_space<hbm>>
      %dma_start3A_191 = tpu.memref_slice %arg3[%mul3A_189] : memref<63995904xf32, #tpu.memory_space<hbm>> -> memref<8192xf32, #tpu.memory_space<hbm>>
      tpu.enqueue_dma source(%arg6 : memref<8192xf32, #tpu.memory_space<vmem>>) target(%dma_start3A_191 : memref<8192xf32, #tpu.memory_space<hbm>>) target_semaphore(%arg10 : memref<!tpu.dma_semaphore, #tpu.memory_space<semaphore_mem>>)
      %add3A_192 = arith.constant 2 : i32
      %add3A_193 = arith.addi %add3A_170, %add3A_192 : i32
      %lt3A_194 = arith.cmpi slt, %add3A_193, %add3A_4 : i32
      %convert_element_type3A_195 = arith.extui %lt3A_194 : i1 to i32
      %cond3A_196 = arith.constant 0 : i32
      %cond3A_197 = arith.cmpi ne, %convert_element_type3A_195, %cond3A_196 : i32
      scf.if %cond3A_197 {
        %add3A_231 = arith.addi %add3A_8, %add3A_170 : i32
        %add3A_232 = arith.constant 2 : i32
        %add3A_233 = arith.addi %add3A_231, %add3A_232 : i32
        %mul3A_234 = arith.constant 128 : i32
        %mul3A_235 = arith.muli %add3A_233, %mul3A_234 : i32
        %dma_start3A_236 = arith.constant 0 : i32
        %dma_start3A_237 = tpu.memref_slice %arg2[%dma_start3A_236, %mul3A_235] : memref<64x1000000xf32, #tpu.memory_space<hbm>> -> memref<64x128xf32, #tpu.memory_space<hbm>>
        %dma_start3A_238 = arith.constant 0 : i32
        %dma_start3A_239 = tpu.memref_slice %arg2[%dma_start3A_238, %mul3A_235] : memref<64x1000000xf32, #tpu.memory_space<hbm>> -> memref<64x128xf32, #tpu.memory_space<hbm>>
        tpu.enqueue_dma source(%dma_start3A_239 : memref<64x128xf32, #tpu.memory_space<hbm>>) target(%arg4 : memref<64x128xf32, #tpu.memory_space<vmem>>) target_semaphore(%arg8 : memref<!tpu.dma_semaphore, #tpu.memory_space<semaphore_mem>>)
      } else {
      }
      %mul3A_198 = arith.constant 2 : i32
      %mul3A_199 = arith.muli %while3A_166, %mul3A_198 : i32
      %add3A_200 = arith.constant 1 : i32
      %add3A_201 = arith.addi %mul3A_199, %add3A_200 : i32
      %add3A_202 = arith.addi %add3A_8, %add3A_201 : i32
      %mul3A_203 = arith.constant 128 : i32
      %mul3A_204 = arith.muli %add3A_202, %mul3A_203 : i32
      %dma_wait3A_205 = arith.constant 0 : i32
      %dma_wait3A_206 = tpu.memref_slice %arg2[%dma_wait3A_205, %mul3A_204] : memref<64x1000000xf32, #tpu.memory_space<hbm>> -> memref<64x128xf32, #tpu.memory_space<hbm>>
      %dma_wait3A_207 = arith.constant 0 : i32
      %dma_wait3A_208 = tpu.memref_slice %arg2[%dma_wait3A_207, %mul3A_204] : memref<64x1000000xf32, #tpu.memory_space<hbm>> -> memref<64x128xf32, #tpu.memory_space<hbm>>
      tpu.wait_dma2 semaphore(%arg9 : memref<!tpu.dma_semaphore, #tpu.memory_space<semaphore_mem>>) src(%dma_wait3A_208 : memref<64x128xf32, #tpu.memory_space<hbm>>) dst(%arg5 : memref<64x128xf32, #tpu.memory_space<vmem>>)
      %ge3A_209 = arith.constant 2 : i32
      %ge3A_210 = arith.cmpi sge, %add3A_201, %ge3A_209 : i32
      %convert_element_type3A_211 = arith.extui %ge3A_210 : i1 to i32
      %cond3A_212 = arith.constant 0 : i32
      %cond3A_213 = arith.cmpi ne, %convert_element_type3A_211, %cond3A_212 : i32
      scf.if %cond3A_213 {
        %add3A_231 = arith.addi %add3A_8, %add3A_201 : i32
        %sub3A_232 = arith.constant 2 : i32
        %sub3A_233 = arith.subi %add3A_231, %sub3A_232 : i32
        %mul3A_234 = arith.constant 8192 : i32
        %mul3A_235 = arith.muli %sub3A_233, %mul3A_234 : i32
        %dma_wait3A_236 = tpu.memref_slice %arg3[%mul3A_235] : memref<63995904xf32, #tpu.memory_space<hbm>> -> memref<8192xf32, #tpu.memory_space<hbm>>
        %dma_wait3A_237 = tpu.memref_slice %arg3[%mul3A_235] : memref<63995904xf32, #tpu.memory_space<hbm>> -> memref<8192xf32, #tpu.memory_space<hbm>>
        tpu.wait_dma2 semaphore(%arg11 : memref<!tpu.dma_semaphore, #tpu.memory_space<semaphore_mem>>) src(%arg7 : memref<8192xf32, #tpu.memory_space<vmem>>) dst(%dma_wait3A_237 : memref<8192xf32, #tpu.memory_space<hbm>>)
      } else {
      }
      %scan3A_214 = arith.constant 0 : i32
      %scan3A_215 = arith.constant 0 : i32
      %scan3A_216 = arith.constant 32 : i32
      %scan3A_217 = arith.addi %scan3A_215, %scan3A_216 : i32
      %scan3A_218 = arith.constant 1 : i32
      scf.for %scan3A_231 = %scan3A_215 to %scan3A_217 step %scan3A_218  : i32 {
        %jit3A_232 = arith.constant 4 : i32
        %div3A_233 = arith.divsi %scan3A_231, %jit3A_232 : i32
        %sign3A_234 = arith.constant 0 : i32
        %sign3A_235 = arith.cmpi sgt, %scan3A_231, %sign3A_234 : i32
        %sign3A_236 = arith.extui %sign3A_235 : i1 to i32
        %sign3A_237 = arith.constant 0 : i32
        %sign3A_238 = arith.cmpi slt, %scan3A_231, %sign3A_237 : i32
        %sign3A_239 = arith.extui %sign3A_238 : i1 to i32
        %sign3A_240 = arith.subi %sign3A_236, %sign3A_239 : i32
        %sign3A_241 = arith.constant 0 : i32
        %sign3A_242 = arith.cmpi sgt, %jit3A_232, %sign3A_241 : i32
        %sign3A_243 = arith.extui %sign3A_242 : i1 to i32
        %sign3A_244 = arith.constant 0 : i32
        %sign3A_245 = arith.cmpi slt, %jit3A_232, %sign3A_244 : i32
        %sign3A_246 = arith.extui %sign3A_245 : i1 to i32
        %sign3A_247 = arith.subi %sign3A_243, %sign3A_246 : i32
        %ne3A_248 = arith.cmpi ne, %sign3A_240, %sign3A_247 : i32
        %rem3A_249 = arith.remsi %scan3A_231, %jit3A_232 : i32
        %ne3A_250 = arith.constant 0 : i32
        %ne3A_251 = arith.cmpi ne, %rem3A_249, %ne3A_250 : i32
        %and3A_252 = arith.andi %ne3A_248, %ne3A_251 : i1
        %sub3A_253 = arith.constant 1 : i32
        %sub3A_254 = arith.subi %div3A_233, %sub3A_253 : i32
        %select_n3A_255 = arith.select %and3A_252, %sub3A_254, %div3A_233 : i32
        %mul3A_256 = arith.constant 16 : i32
        %mul3A_257 = arith.muli %select_n3A_255, %mul3A_256 : i32
        %rem3A_258 = arith.constant 4 : i32
        %rem3A_259 = arith.remsi %scan3A_231, %rem3A_258 : i32
        %mul3A_260 = arith.constant 16 : i32
        %mul3A_261 = arith.muli %rem3A_259, %mul3A_260 : i32
        %add3A_262 = vector.broadcast %mul3A_261 : i32 to vector<16xi32>
        %add3A_263 = arith.addi %add3A_262, %iota3A : vector<16xi32>
        %add3A_264 = vector.broadcast %mul3A_257 : i32 to vector<16xi32>
        %add3A_265 = arith.addi %add3A_264, %rem3A_13 : vector<16xi32>
        %gather3A = tpu.vector_load_idx %arg5[%add3A_263, %add3A_265] : memref<64x128xf32, #tpu.memory_space<vmem>>[vector<16xi32>, vector<16xi32>], vector<16xf32>,
        %mul3A_266 = arith.constant 64 : i32
        %mul3A_267 = vector.broadcast %mul3A_266 : i32 to vector<16xi32>
        %mul3A_268 = arith.muli %add3A_265, %mul3A_267 : vector<16xi32>
        %add3A_269 = arith.addi %mul3A_268, %add3A_263 : vector<16xi32>
        tpu.vector_store_idx %arg7[%add3A_269], %gather3A : memref<8192xf32, #tpu.memory_space<vmem>>[vector<16xi32>], vector<16xf32>,
        %add3A_270 = vector.broadcast %mul3A_257 : i32 to vector<16xi32>
        %add3A_271 = arith.addi %add3A_270, %rem3A_19 : vector<16xi32>
        %gather3A_272 = tpu.vector_load_idx %arg5[%add3A_263, %add3A_271] : memref<64x128xf32, #tpu.memory_space<vmem>>[vector<16xi32>, vector<16xi32>], vector<16xf32>,
        %mul3A_273 = arith.constant 64 : i32
        %mul3A_274 = vector.broadcast %mul3A_273 : i32 to vector<16xi32>
        %mul3A_275 = arith.muli %add3A_271, %mul3A_274 : vector<16xi32>
        %add3A_276 = arith.addi %mul3A_275, %add3A_263 : vector<16xi32>
        tpu.vector_store_idx %arg7[%add3A_276], %gather3A_272 : memref<8192xf32, #tpu.memory_space<vmem>>[vector<16xi32>], vector<16xf32>,
        %add3A_277 = vector.broadcast %mul3A_257 : i32 to vector<16xi32>
        %add3A_278 = arith.addi %add3A_277, %rem3A_25 : vector<16xi32>
        %gather3A_279 = tpu.vector_load_idx %arg5[%add3A_263, %add3A_278] : memref<64x128xf32, #tpu.memory_space<vmem>>[vector<16xi32>, vector<16xi32>], vector<16xf32>,
        %mul3A_280 = arith.constant 64 : i32
        %mul3A_281 = vector.broadcast %mul3A_280 : i32 to vector<16xi32>
        %mul3A_282 = arith.muli %add3A_278, %mul3A_281 : vector<16xi32>
        %add3A_283 = arith.addi %mul3A_282, %add3A_263 : vector<16xi32>
        tpu.vector_store_idx %arg7[%add3A_283], %gather3A_279 : memref<8192xf32, #tpu.memory_space<vmem>>[vector<16xi32>], vector<16xf32>,
        %add3A_284 = vector.broadcast %mul3A_257 : i32 to vector<16xi32>
        %add3A_285 = arith.addi %add3A_284, %rem3A_31 : vector<16xi32>
        %gather3A_286 = tpu.vector_load_idx %arg5[%add3A_263, %add3A_285] : memref<64x128xf32, #tpu.memory_space<vmem>>[vector<16xi32>, vector<16xi32>], vector<16xf32>,
        %mul3A_287 = arith.constant 64 : i32
        %mul3A_288 = vector.broadcast %mul3A_287 : i32 to vector<16xi32>
        %mul3A_289 = arith.muli %add3A_285, %mul3A_288 : vector<16xi32>
        %add3A_290 = arith.addi %mul3A_289, %add3A_263 : vector<16xi32>
        tpu.vector_store_idx %arg7[%add3A_290], %gather3A_286 : memref<8192xf32, #tpu.memory_space<vmem>>[vector<16xi32>], vector<16xf32>,
        %add3A_291 = vector.broadcast %mul3A_257 : i32 to vector<16xi32>
        %add3A_292 = arith.addi %add3A_291, %rem3A_37 : vector<16xi32>
        %gather3A_293 = tpu.vector_load_idx %arg5[%add3A_263, %add3A_292] : memref<64x128xf32, #tpu.memory_space<vmem>>[vector<16xi32>, vector<16xi32>], vector<16xf32>,
        %mul3A_294 = arith.constant 64 : i32
        %mul3A_295 = vector.broadcast %mul3A_294 : i32 to vector<16xi32>
        %mul3A_296 = arith.muli %add3A_292, %mul3A_295 : vector<16xi32>
        %add3A_297 = arith.addi %mul3A_296, %add3A_263 : vector<16xi32>
        tpu.vector_store_idx %arg7[%add3A_297], %gather3A_293 : memref<8192xf32, #tpu.memory_space<vmem>>[vector<16xi32>], vector<16xf32>,
        %add3A_298 = vector.broadcast %mul3A_257 : i32 to vector<16xi32>
        %add3A_299 = arith.addi %add3A_298, %rem3A_43 : vector<16xi32>
        %gather3A_300 = tpu.vector_load_idx %arg5[%add3A_263, %add3A_299] : memref<64x128xf32, #tpu.memory_space<vmem>>[vector<16xi32>, vector<16xi32>], vector<16xf32>,
        %mul3A_301 = arith.constant 64 : i32
        %mul3A_302 = vector.broadcast %mul3A_301 : i32 to vector<16xi32>
        %mul3A_303 = arith.muli %add3A_299, %mul3A_302 : vector<16xi32>
        %add3A_304 = arith.addi %mul3A_303, %add3A_263 : vector<16xi32>
        tpu.vector_store_idx %arg7[%add3A_304], %gather3A_300 : memref<8192xf32, #tpu.memory_space<vmem>>[vector<16xi32>], vector<16xf32>,
        %add3A_305 = vector.broadcast %mul3A_257 : i32 to vector<16xi32>
        %add3A_306 = arith.addi %add3A_305, %rem3A_49 : vector<16xi32>
        %gather3A_307 = tpu.vector_load_idx %arg5[%add3A_263, %add3A_306] : memref<64x128xf32, #tpu.memory_space<vmem>>[vector<16xi32>, vector<16xi32>], vector<16xf32>,
        %mul3A_308 = arith.constant 64 : i32
        %mul3A_309 = vector.broadcast %mul3A_308 : i32 to vector<16xi32>
        %mul3A_310 = arith.muli %add3A_306, %mul3A_309 : vector<16xi32>
        %add3A_311 = arith.addi %mul3A_310, %add3A_263 : vector<16xi32>
        tpu.vector_store_idx %arg7[%add3A_311], %gather3A_307 : memref<8192xf32, #tpu.memory_space<vmem>>[vector<16xi32>], vector<16xf32>,
        %add3A_312 = vector.broadcast %mul3A_257 : i32 to vector<16xi32>
        %add3A_313 = arith.addi %add3A_312, %rem3A_55 : vector<16xi32>
        %gather3A_314 = tpu.vector_load_idx %arg5[%add3A_263, %add3A_313] : memref<64x128xf32, #tpu.memory_space<vmem>>[vector<16xi32>, vector<16xi32>], vector<16xf32>,
        %mul3A_315 = arith.constant 64 : i32
        %mul3A_316 = vector.broadcast %mul3A_315 : i32 to vector<16xi32>
        %mul3A_317 = arith.muli %add3A_313, %mul3A_316 : vector<16xi32>
        %add3A_318 = arith.addi %mul3A_317, %add3A_263 : vector<16xi32>
        tpu.vector_store_idx %arg7[%add3A_318], %gather3A_314 : memref<8192xf32, #tpu.memory_space<vmem>>[vector<16xi32>], vector<16xf32>,
        %add3A_319 = vector.broadcast %mul3A_257 : i32 to vector<16xi32>
        %add3A_320 = arith.addi %add3A_319, %rem3A_61 : vector<16xi32>
        %gather3A_321 = tpu.vector_load_idx %arg5[%add3A_263, %add3A_320] : memref<64x128xf32, #tpu.memory_space<vmem>>[vector<16xi32>, vector<16xi32>], vector<16xf32>,
        %mul3A_322 = arith.constant 64 : i32
        %mul3A_323 = vector.broadcast %mul3A_322 : i32 to vector<16xi32>
        %mul3A_324 = arith.muli %add3A_320, %mul3A_323 : vector<16xi32>
        %add3A_325 = arith.addi %mul3A_324, %add3A_263 : vector<16xi32>
        tpu.vector_store_idx %arg7[%add3A_325], %gather3A_321 : memref<8192xf32, #tpu.memory_space<vmem>>[vector<16xi32>], vector<16xf32>,
        %add3A_326 = vector.broadcast %mul3A_257 : i32 to vector<16xi32>
        %add3A_327 = arith.addi %add3A_326, %rem3A_67 : vector<16xi32>
        %gather3A_328 = tpu.vector_load_idx %arg5[%add3A_263, %add3A_327] : memref<64x128xf32, #tpu.memory_space<vmem>>[vector<16xi32>, vector<16xi32>], vector<16xf32>,
        %mul3A_329 = arith.constant 64 : i32
        %mul3A_330 = vector.broadcast %mul3A_329 : i32 to vector<16xi32>
        %mul3A_331 = arith.muli %add3A_327, %mul3A_330 : vector<16xi32>
        %add3A_332 = arith.addi %mul3A_331, %add3A_263 : vector<16xi32>
        tpu.vector_store_idx %arg7[%add3A_332], %gather3A_328 : memref<8192xf32, #tpu.memory_space<vmem>>[vector<16xi32>], vector<16xf32>,
        %add3A_333 = vector.broadcast %mul3A_257 : i32 to vector<16xi32>
        %add3A_334 = arith.addi %add3A_333, %rem3A_73 : vector<16xi32>
        %gather3A_335 = tpu.vector_load_idx %arg5[%add3A_263, %add3A_334] : memref<64x128xf32, #tpu.memory_space<vmem>>[vector<16xi32>, vector<16xi32>], vector<16xf32>,
        %mul3A_336 = arith.constant 64 : i32
        %mul3A_337 = vector.broadcast %mul3A_336 : i32 to vector<16xi32>
        %mul3A_338 = arith.muli %add3A_334, %mul3A_337 : vector<16xi32>
        %add3A_339 = arith.addi %mul3A_338, %add3A_263 : vector<16xi32>
        tpu.vector_store_idx %arg7[%add3A_339], %gather3A_335 : memref<8192xf32, #tpu.memory_space<vmem>>[vector<16xi32>], vector<16xf32>,
        %add3A_340 = vector.broadcast %mul3A_257 : i32 to vector<16xi32>
        %add3A_341 = arith.addi %add3A_340, %rem3A_79 : vector<16xi32>
        %gather3A_342 = tpu.vector_load_idx %arg5[%add3A_263, %add3A_341] : memref<64x128xf32, #tpu.memory_space<vmem>>[vector<16xi32>, vector<16xi32>], vector<16xf32>,
        %mul3A_343 = arith.constant 64 : i32
        %mul3A_344 = vector.broadcast %mul3A_343 : i32 to vector<16xi32>
        %mul3A_345 = arith.muli %add3A_341, %mul3A_344 : vector<16xi32>
        %add3A_346 = arith.addi %mul3A_345, %add3A_263 : vector<16xi32>
        tpu.vector_store_idx %arg7[%add3A_346], %gather3A_342 : memref<8192xf32, #tpu.memory_space<vmem>>[vector<16xi32>], vector<16xf32>,
        %add3A_347 = vector.broadcast %mul3A_257 : i32 to vector<16xi32>
        %add3A_348 = arith.addi %add3A_347, %rem3A_85 : vector<16xi32>
        %gather3A_349 = tpu.vector_load_idx %arg5[%add3A_263, %add3A_348] : memref<64x128xf32, #tpu.memory_space<vmem>>[vector<16xi32>, vector<16xi32>], vector<16xf32>,
        %mul3A_350 = arith.constant 64 : i32
        %mul3A_351 = vector.broadcast %mul3A_350 : i32 to vector<16xi32>
        %mul3A_352 = arith.muli %add3A_348, %mul3A_351 : vector<16xi32>
        %add3A_353 = arith.addi %mul3A_352, %add3A_263 : vector<16xi32>
        tpu.vector_store_idx %arg7[%add3A_353], %gather3A_349 : memref<8192xf32, #tpu.memory_space<vmem>>[vector<16xi32>], vector<16xf32>,
        %add3A_354 = vector.broadcast %mul3A_257 : i32 to vector<16xi32>
        %add3A_355 = arith.addi %add3A_354, %rem3A_91 : vector<16xi32>
        %gather3A_356 = tpu.vector_load_idx %arg5[%add3A_263, %add3A_355] : memref<64x128xf32, #tpu.memory_space<vmem>>[vector<16xi32>, vector<16xi32>], vector<16xf32>,
        %mul3A_357 = arith.constant 64 : i32
        %mul3A_358 = vector.broadcast %mul3A_357 : i32 to vector<16xi32>
        %mul3A_359 = arith.muli %add3A_355, %mul3A_358 : vector<16xi32>
        %add3A_360 = arith.addi %mul3A_359, %add3A_263 : vector<16xi32>
        tpu.vector_store_idx %arg7[%add3A_360], %gather3A_356 : memref<8192xf32, #tpu.memory_space<vmem>>[vector<16xi32>], vector<16xf32>,
        %add3A_361 = vector.broadcast %mul3A_257 : i32 to vector<16xi32>
        %add3A_362 = arith.addi %add3A_361, %rem3A_97 : vector<16xi32>
        %gather3A_363 = tpu.vector_load_idx %arg5[%add3A_263, %add3A_362] : memref<64x128xf32, #tpu.memory_space<vmem>>[vector<16xi32>, vector<16xi32>], vector<16xf32>,
        %mul3A_364 = arith.constant 64 : i32
        %mul3A_365 = vector.broadcast %mul3A_364 : i32 to vector<16xi32>
        %mul3A_366 = arith.muli %add3A_362, %mul3A_365 : vector<16xi32>
        %add3A_367 = arith.addi %mul3A_366, %add3A_263 : vector<16xi32>
        tpu.vector_store_idx %arg7[%add3A_367], %gather3A_363 : memref<8192xf32, #tpu.memory_space<vmem>>[vector<16xi32>], vector<16xf32>,
        %add3A_368 = vector.broadcast %mul3A_257 : i32 to vector<16xi32>
        %add3A_369 = arith.addi %add3A_368, %rem3A_103 : vector<16xi32>
        %gather3A_370 = tpu.vector_load_idx %arg5[%add3A_263, %add3A_369] : memref<64x128xf32, #tpu.memory_space<vmem>>[vector<16xi32>, vector<16xi32>], vector<16xf32>,
        %mul3A_371 = arith.constant 64 : i32
        %mul3A_372 = vector.broadcast %mul3A_371 : i32 to vector<16xi32>
        %mul3A_373 = arith.muli %add3A_369, %mul3A_372 : vector<16xi32>
        %add3A_374 = arith.addi %mul3A_373, %add3A_263 : vector<16xi32>
        tpu.vector_store_idx %arg7[%add3A_374], %gather3A_370 : memref<8192xf32, #tpu.memory_space<vmem>>[vector<16xi32>], vector<16xf32>,
      }
      %scan3A_219 = arith.constant 32 : i32
      %add3A_220 = arith.addi %add3A_8, %add3A_201 : i32
      %mul3A_221 = arith.constant 8192 : i32
      %mul3A_222 = arith.muli %add3A_220, %mul3A_221 : i32
      %dma_start3A_223 = tpu.memref_slice %arg3[%mul3A_222] : memref<63995904xf32, #tpu.memory_space<hbm>> -> memref<8192xf32, #tpu.memory_space<hbm>>
      %dma_start3A_224 = tpu.memref_slice %arg3[%mul3A_222] : memref<63995904xf32, #tpu.memory_space<hbm>> -> memref<8192xf32, #tpu.memory_space<hbm>>
      tpu.enqueue_dma source(%arg7 : memref<8192xf32, #tpu.memory_space<vmem>>) target(%dma_start3A_224 : memref<8192xf32, #tpu.memory_space<hbm>>) target_semaphore(%arg11 : memref<!tpu.dma_semaphore, #tpu.memory_space<semaphore_mem>>)
      %add3A_225 = arith.constant 2 : i32
      %add3A_226 = arith.addi %add3A_201, %add3A_225 : i32
      %lt3A_227 = arith.cmpi slt, %add3A_226, %add3A_4 : i32
      %convert_element_type3A_228 = arith.extui %lt3A_227 : i1 to i32
      %cond3A_229 = arith.constant 0 : i32
      %cond3A_230 = arith.cmpi ne, %convert_element_type3A_228, %cond3A_229 : i32
      scf.if %cond3A_230 {
        %add3A_231 = arith.addi %add3A_8, %add3A_201 : i32
        %add3A_232 = arith.constant 2 : i32
        %add3A_233 = arith.addi %add3A_231, %add3A_232 : i32
        %mul3A_234 = arith.constant 128 : i32
        %mul3A_235 = arith.muli %add3A_233, %mul3A_234 : i32
        %dma_start3A_236 = arith.constant 0 : i32
        %dma_start3A_237 = tpu.memref_slice %arg2[%dma_start3A_236, %mul3A_235] : memref<64x1000000xf32, #tpu.memory_space<hbm>> -> memref<64x128xf32, #tpu.memory_space<hbm>>
        %dma_start3A_238 = arith.constant 0 : i32
        %dma_start3A_239 = tpu.memref_slice %arg2[%dma_start3A_238, %mul3A_235] : memref<64x1000000xf32, #tpu.memory_space<hbm>> -> memref<64x128xf32, #tpu.memory_space<hbm>>
        tpu.enqueue_dma source(%dma_start3A_239 : memref<64x128xf32, #tpu.memory_space<hbm>>) target(%arg5 : memref<64x128xf32, #tpu.memory_space<vmem>>) target_semaphore(%arg9 : memref<!tpu.dma_semaphore, #tpu.memory_space<semaphore_mem>>)
      } else {
      }
    }
    %rem3A_145 = arith.constant 2 : i32
    %rem3A_146 = arith.remsi %add3A_4, %rem3A_145 : i32
    %eq3A = arith.constant 1 : i32
    %eq3A_147 = arith.cmpi eq, %rem3A_146, %eq3A : i32
    %convert_element_type3A = arith.extui %eq3A_147 : i1 to i32
    %cond3A = arith.constant 0 : i32
    %cond3A_148 = arith.cmpi ne, %convert_element_type3A, %cond3A : i32
    scf.if %cond3A_148 {
      %sub3A_166 = arith.constant 1 : i32
      %sub3A_167 = arith.subi %add3A_4, %sub3A_166 : i32
      %add3A_168 = arith.addi %add3A_8, %sub3A_167 : i32
      %mul3A_169 = arith.constant 128 : i32
      %mul3A_170 = arith.muli %add3A_168, %mul3A_169 : i32
      %dma_wait3A = arith.constant 0 : i32
      %dma_wait3A_171 = tpu.memref_slice %arg2[%dma_wait3A, %mul3A_170] : memref<64x1000000xf32, #tpu.memory_space<hbm>> -> memref<64x128xf32, #tpu.memory_space<hbm>>
      %dma_wait3A_172 = arith.constant 0 : i32
      %dma_wait3A_173 = tpu.memref_slice %arg2[%dma_wait3A_172, %mul3A_170] : memref<64x1000000xf32, #tpu.memory_space<hbm>> -> memref<64x128xf32, #tpu.memory_space<hbm>>
      tpu.wait_dma2 semaphore(%arg8 : memref<!tpu.dma_semaphore, #tpu.memory_space<semaphore_mem>>) src(%dma_wait3A_173 : memref<64x128xf32, #tpu.memory_space<hbm>>) dst(%arg4 : memref<64x128xf32, #tpu.memory_space<vmem>>)
      %add3A_174 = arith.addi %add3A_8, %sub3A_167 : i32
      %sub3A_175 = arith.constant 2 : i32
      %sub3A_176 = arith.subi %add3A_174, %sub3A_175 : i32
      %mul3A_177 = arith.constant 8192 : i32
      %mul3A_178 = arith.muli %sub3A_176, %mul3A_177 : i32
      %dma_wait3A_179 = tpu.memref_slice %arg3[%mul3A_178] : memref<63995904xf32, #tpu.memory_space<hbm>> -> memref<8192xf32, #tpu.memory_space<hbm>>
      %dma_wait3A_180 = tpu.memref_slice %arg3[%mul3A_178] : memref<63995904xf32, #tpu.memory_space<hbm>> -> memref<8192xf32, #tpu.memory_space<hbm>>
      tpu.wait_dma2 semaphore(%arg10 : memref<!tpu.dma_semaphore, #tpu.memory_space<semaphore_mem>>) src(%arg6 : memref<8192xf32, #tpu.memory_space<vmem>>) dst(%dma_wait3A_180 : memref<8192xf32, #tpu.memory_space<hbm>>)
      %scan3A = arith.constant 0 : i32
      %scan3A_181 = arith.constant 0 : i32
      %scan3A_182 = arith.constant 32 : i32
      %scan3A_183 = arith.addi %scan3A_181, %scan3A_182 : i32
      %scan3A_184 = arith.constant 1 : i32
      scf.for %scan3A_191 = %scan3A_181 to %scan3A_183 step %scan3A_184  : i32 {
        %jit3A_192 = arith.constant 4 : i32
        %div3A_193 = arith.divsi %scan3A_191, %jit3A_192 : i32
        %sign3A_194 = arith.constant 0 : i32
        %sign3A_195 = arith.cmpi sgt, %scan3A_191, %sign3A_194 : i32
        %sign3A_196 = arith.extui %sign3A_195 : i1 to i32
        %sign3A_197 = arith.constant 0 : i32
        %sign3A_198 = arith.cmpi slt, %scan3A_191, %sign3A_197 : i32
        %sign3A_199 = arith.extui %sign3A_198 : i1 to i32
        %sign3A_200 = arith.subi %sign3A_196, %sign3A_199 : i32
        %sign3A_201 = arith.constant 0 : i32
        %sign3A_202 = arith.cmpi sgt, %jit3A_192, %sign3A_201 : i32
        %sign3A_203 = arith.extui %sign3A_202 : i1 to i32
        %sign3A_204 = arith.constant 0 : i32
        %sign3A_205 = arith.cmpi slt, %jit3A_192, %sign3A_204 : i32
        %sign3A_206 = arith.extui %sign3A_205 : i1 to i32
        %sign3A_207 = arith.subi %sign3A_203, %sign3A_206 : i32
        %ne3A_208 = arith.cmpi ne, %sign3A_200, %sign3A_207 : i32
        %rem3A_209 = arith.remsi %scan3A_191, %jit3A_192 : i32
        %ne3A_210 = arith.constant 0 : i32
        %ne3A_211 = arith.cmpi ne, %rem3A_209, %ne3A_210 : i32
        %and3A_212 = arith.andi %ne3A_208, %ne3A_211 : i1
        %sub3A_213 = arith.constant 1 : i32
        %sub3A_214 = arith.subi %div3A_193, %sub3A_213 : i32
        %select_n3A_215 = arith.select %and3A_212, %sub3A_214, %div3A_193 : i32
        %mul3A_216 = arith.constant 16 : i32
        %mul3A_217 = arith.muli %select_n3A_215, %mul3A_216 : i32
        %rem3A_218 = arith.constant 4 : i32
        %rem3A_219 = arith.remsi %scan3A_191, %rem3A_218 : i32
        %mul3A_220 = arith.constant 16 : i32
        %mul3A_221 = arith.muli %rem3A_219, %mul3A_220 : i32
        %add3A_222 = vector.broadcast %mul3A_221 : i32 to vector<16xi32>
        %add3A_223 = arith.addi %add3A_222, %iota3A : vector<16xi32>
        %add3A_224 = vector.broadcast %mul3A_217 : i32 to vector<16xi32>
        %add3A_225 = arith.addi %add3A_224, %rem3A_13 : vector<16xi32>
        %gather3A = tpu.vector_load_idx %arg4[%add3A_223, %add3A_225] : memref<64x128xf32, #tpu.memory_space<vmem>>[vector<16xi32>, vector<16xi32>], vector<16xf32>,
        %mul3A_226 = arith.constant 64 : i32
        %mul3A_227 = vector.broadcast %mul3A_226 : i32 to vector<16xi32>
        %mul3A_228 = arith.muli %add3A_225, %mul3A_227 : vector<16xi32>
        %add3A_229 = arith.addi %mul3A_228, %add3A_223 : vector<16xi32>
        tpu.vector_store_idx %arg6[%add3A_229], %gather3A : memref<8192xf32, #tpu.memory_space<vmem>>[vector<16xi32>], vector<16xf32>,
        %add3A_230 = vector.broadcast %mul3A_217 : i32 to vector<16xi32>
        %add3A_231 = arith.addi %add3A_230, %rem3A_19 : vector<16xi32>
        %gather3A_232 = tpu.vector_load_idx %arg4[%add3A_223, %add3A_231] : memref<64x128xf32, #tpu.memory_space<vmem>>[vector<16xi32>, vector<16xi32>], vector<16xf32>,
        %mul3A_233 = arith.constant 64 : i32
        %mul3A_234 = vector.broadcast %mul3A_233 : i32 to vector<16xi32>
        %mul3A_235 = arith.muli %add3A_231, %mul3A_234 : vector<16xi32>
        %add3A_236 = arith.addi %mul3A_235, %add3A_223 : vector<16xi32>
        tpu.vector_store_idx %arg6[%add3A_236], %gather3A_232 : memref<8192xf32, #tpu.memory_space<vmem>>[vector<16xi32>], vector<16xf32>,
        %add3A_237 = vector.broadcast %mul3A_217 : i32 to vector<16xi32>
        %add3A_238 = arith.addi %add3A_237, %rem3A_25 : vector<16xi32>
        %gather3A_239 = tpu.vector_load_idx %arg4[%add3A_223, %add3A_238] : memref<64x128xf32, #tpu.memory_space<vmem>>[vector<16xi32>, vector<16xi32>], vector<16xf32>,
        %mul3A_240 = arith.constant 64 : i32
        %mul3A_241 = vector.broadcast %mul3A_240 : i32 to vector<16xi32>
        %mul3A_242 = arith.muli %add3A_238, %mul3A_241 : vector<16xi32>
        %add3A_243 = arith.addi %mul3A_242, %add3A_223 : vector<16xi32>
        tpu.vector_store_idx %arg6[%add3A_243], %gather3A_239 : memref<8192xf32, #tpu.memory_space<vmem>>[vector<16xi32>], vector<16xf32>,
        %add3A_244 = vector.broadcast %mul3A_217 : i32 to vector<16xi32>
        %add3A_245 = arith.addi %add3A_244, %rem3A_31 : vector<16xi32>
        %gather3A_246 = tpu.vector_load_idx %arg4[%add3A_223, %add3A_245] : memref<64x128xf32, #tpu.memory_space<vmem>>[vector<16xi32>, vector<16xi32>], vector<16xf32>,
        %mul3A_247 = arith.constant 64 : i32
        %mul3A_248 = vector.broadcast %mul3A_247 : i32 to vector<16xi32>
        %mul3A_249 = arith.muli %add3A_245, %mul3A_248 : vector<16xi32>
        %add3A_250 = arith.addi %mul3A_249, %add3A_223 : vector<16xi32>
        tpu.vector_store_idx %arg6[%add3A_250], %gather3A_246 : memref<8192xf32, #tpu.memory_space<vmem>>[vector<16xi32>], vector<16xf32>,
        %add3A_251 = vector.broadcast %mul3A_217 : i32 to vector<16xi32>
        %add3A_252 = arith.addi %add3A_251, %rem3A_37 : vector<16xi32>
        %gather3A_253 = tpu.vector_load_idx %arg4[%add3A_223, %add3A_252] : memref<64x128xf32, #tpu.memory_space<vmem>>[vector<16xi32>, vector<16xi32>], vector<16xf32>,
        %mul3A_254 = arith.constant 64 : i32
        %mul3A_255 = vector.broadcast %mul3A_254 : i32 to vector<16xi32>
        %mul3A_256 = arith.muli %add3A_252, %mul3A_255 : vector<16xi32>
        %add3A_257 = arith.addi %mul3A_256, %add3A_223 : vector<16xi32>
        tpu.vector_store_idx %arg6[%add3A_257], %gather3A_253 : memref<8192xf32, #tpu.memory_space<vmem>>[vector<16xi32>], vector<16xf32>,
        %add3A_258 = vector.broadcast %mul3A_217 : i32 to vector<16xi32>
        %add3A_259 = arith.addi %add3A_258, %rem3A_43 : vector<16xi32>
        %gather3A_260 = tpu.vector_load_idx %arg4[%add3A_223, %add3A_259] : memref<64x128xf32, #tpu.memory_space<vmem>>[vector<16xi32>, vector<16xi32>], vector<16xf32>,
        %mul3A_261 = arith.constant 64 : i32
        %mul3A_262 = vector.broadcast %mul3A_261 : i32 to vector<16xi32>
        %mul3A_263 = arith.muli %add3A_259, %mul3A_262 : vector<16xi32>
        %add3A_264 = arith.addi %mul3A_263, %add3A_223 : vector<16xi32>
        tpu.vector_store_idx %arg6[%add3A_264], %gather3A_260 : memref<8192xf32, #tpu.memory_space<vmem>>[vector<16xi32>], vector<16xf32>,
        %add3A_265 = vector.broadcast %mul3A_217 : i32 to vector<16xi32>
        %add3A_266 = arith.addi %add3A_265, %rem3A_49 : vector<16xi32>
        %gather3A_267 = tpu.vector_load_idx %arg4[%add3A_223, %add3A_266] : memref<64x128xf32, #tpu.memory_space<vmem>>[vector<16xi32>, vector<16xi32>], vector<16xf32>,
        %mul3A_268 = arith.constant 64 : i32
        %mul3A_269 = vector.broadcast %mul3A_268 : i32 to vector<16xi32>
        %mul3A_270 = arith.muli %add3A_266, %mul3A_269 : vector<16xi32>
        %add3A_271 = arith.addi %mul3A_270, %add3A_223 : vector<16xi32>
        tpu.vector_store_idx %arg6[%add3A_271], %gather3A_267 : memref<8192xf32, #tpu.memory_space<vmem>>[vector<16xi32>], vector<16xf32>,
        %add3A_272 = vector.broadcast %mul3A_217 : i32 to vector<16xi32>
        %add3A_273 = arith.addi %add3A_272, %rem3A_55 : vector<16xi32>
        %gather3A_274 = tpu.vector_load_idx %arg4[%add3A_223, %add3A_273] : memref<64x128xf32, #tpu.memory_space<vmem>>[vector<16xi32>, vector<16xi32>], vector<16xf32>,
        %mul3A_275 = arith.constant 64 : i32
        %mul3A_276 = vector.broadcast %mul3A_275 : i32 to vector<16xi32>
        %mul3A_277 = arith.muli %add3A_273, %mul3A_276 : vector<16xi32>
        %add3A_278 = arith.addi %mul3A_277, %add3A_223 : vector<16xi32>
        tpu.vector_store_idx %arg6[%add3A_278], %gather3A_274 : memref<8192xf32, #tpu.memory_space<vmem>>[vector<16xi32>], vector<16xf32>,
        %add3A_279 = vector.broadcast %mul3A_217 : i32 to vector<16xi32>
        %add3A_280 = arith.addi %add3A_279, %rem3A_61 : vector<16xi32>
        %gather3A_281 = tpu.vector_load_idx %arg4[%add3A_223, %add3A_280] : memref<64x128xf32, #tpu.memory_space<vmem>>[vector<16xi32>, vector<16xi32>], vector<16xf32>,
        %mul3A_282 = arith.constant 64 : i32
        %mul3A_283 = vector.broadcast %mul3A_282 : i32 to vector<16xi32>
        %mul3A_284 = arith.muli %add3A_280, %mul3A_283 : vector<16xi32>
        %add3A_285 = arith.addi %mul3A_284, %add3A_223 : vector<16xi32>
        tpu.vector_store_idx %arg6[%add3A_285], %gather3A_281 : memref<8192xf32, #tpu.memory_space<vmem>>[vector<16xi32>], vector<16xf32>,
        %add3A_286 = vector.broadcast %mul3A_217 : i32 to vector<16xi32>
        %add3A_287 = arith.addi %add3A_286, %rem3A_67 : vector<16xi32>
        %gather3A_288 = tpu.vector_load_idx %arg4[%add3A_223, %add3A_287] : memref<64x128xf32, #tpu.memory_space<vmem>>[vector<16xi32>, vector<16xi32>], vector<16xf32>,
        %mul3A_289 = arith.constant 64 : i32
        %mul3A_290 = vector.broadcast %mul3A_289 : i32 to vector<16xi32>
        %mul3A_291 = arith.muli %add3A_287, %mul3A_290 : vector<16xi32>
        %add3A_292 = arith.addi %mul3A_291, %add3A_223 : vector<16xi32>
        tpu.vector_store_idx %arg6[%add3A_292], %gather3A_288 : memref<8192xf32, #tpu.memory_space<vmem>>[vector<16xi32>], vector<16xf32>,
        %add3A_293 = vector.broadcast %mul3A_217 : i32 to vector<16xi32>
        %add3A_294 = arith.addi %add3A_293, %rem3A_73 : vector<16xi32>
        %gather3A_295 = tpu.vector_load_idx %arg4[%add3A_223, %add3A_294] : memref<64x128xf32, #tpu.memory_space<vmem>>[vector<16xi32>, vector<16xi32>], vector<16xf32>,
        %mul3A_296 = arith.constant 64 : i32
        %mul3A_297 = vector.broadcast %mul3A_296 : i32 to vector<16xi32>
        %mul3A_298 = arith.muli %add3A_294, %mul3A_297 : vector<16xi32>
        %add3A_299 = arith.addi %mul3A_298, %add3A_223 : vector<16xi32>
        tpu.vector_store_idx %arg6[%add3A_299], %gather3A_295 : memref<8192xf32, #tpu.memory_space<vmem>>[vector<16xi32>], vector<16xf32>,
        %add3A_300 = vector.broadcast %mul3A_217 : i32 to vector<16xi32>
        %add3A_301 = arith.addi %add3A_300, %rem3A_79 : vector<16xi32>
        %gather3A_302 = tpu.vector_load_idx %arg4[%add3A_223, %add3A_301] : memref<64x128xf32, #tpu.memory_space<vmem>>[vector<16xi32>, vector<16xi32>], vector<16xf32>,
        %mul3A_303 = arith.constant 64 : i32
        %mul3A_304 = vector.broadcast %mul3A_303 : i32 to vector<16xi32>
        %mul3A_305 = arith.muli %add3A_301, %mul3A_304 : vector<16xi32>
        %add3A_306 = arith.addi %mul3A_305, %add3A_223 : vector<16xi32>
        tpu.vector_store_idx %arg6[%add3A_306], %gather3A_302 : memref<8192xf32, #tpu.memory_space<vmem>>[vector<16xi32>], vector<16xf32>,
        %add3A_307 = vector.broadcast %mul3A_217 : i32 to vector<16xi32>
        %add3A_308 = arith.addi %add3A_307, %rem3A_85 : vector<16xi32>
        %gather3A_309 = tpu.vector_load_idx %arg4[%add3A_223, %add3A_308] : memref<64x128xf32, #tpu.memory_space<vmem>>[vector<16xi32>, vector<16xi32>], vector<16xf32>,
        %mul3A_310 = arith.constant 64 : i32
        %mul3A_311 = vector.broadcast %mul3A_310 : i32 to vector<16xi32>
        %mul3A_312 = arith.muli %add3A_308, %mul3A_311 : vector<16xi32>
        %add3A_313 = arith.addi %mul3A_312, %add3A_223 : vector<16xi32>
        tpu.vector_store_idx %arg6[%add3A_313], %gather3A_309 : memref<8192xf32, #tpu.memory_space<vmem>>[vector<16xi32>], vector<16xf32>,
        %add3A_314 = vector.broadcast %mul3A_217 : i32 to vector<16xi32>
        %add3A_315 = arith.addi %add3A_314, %rem3A_91 : vector<16xi32>
        %gather3A_316 = tpu.vector_load_idx %arg4[%add3A_223, %add3A_315] : memref<64x128xf32, #tpu.memory_space<vmem>>[vector<16xi32>, vector<16xi32>], vector<16xf32>,
        %mul3A_317 = arith.constant 64 : i32
        %mul3A_318 = vector.broadcast %mul3A_317 : i32 to vector<16xi32>
        %mul3A_319 = arith.muli %add3A_315, %mul3A_318 : vector<16xi32>
        %add3A_320 = arith.addi %mul3A_319, %add3A_223 : vector<16xi32>
        tpu.vector_store_idx %arg6[%add3A_320], %gather3A_316 : memref<8192xf32, #tpu.memory_space<vmem>>[vector<16xi32>], vector<16xf32>,
        %add3A_321 = vector.broadcast %mul3A_217 : i32 to vector<16xi32>
        %add3A_322 = arith.addi %add3A_321, %rem3A_97 : vector<16xi32>
        %gather3A_323 = tpu.vector_load_idx %arg4[%add3A_223, %add3A_322] : memref<64x128xf32, #tpu.memory_space<vmem>>[vector<16xi32>, vector<16xi32>], vector<16xf32>,
        %mul3A_324 = arith.constant 64 : i32
        %mul3A_325 = vector.broadcast %mul3A_324 : i32 to vector<16xi32>
        %mul3A_326 = arith.muli %add3A_322, %mul3A_325 : vector<16xi32>
        %add3A_327 = arith.addi %mul3A_326, %add3A_223 : vector<16xi32>
        tpu.vector_store_idx %arg6[%add3A_327], %gather3A_323 : memref<8192xf32, #tpu.memory_space<vmem>>[vector<16xi32>], vector<16xf32>,
        %add3A_328 = vector.broadcast %mul3A_217 : i32 to vector<16xi32>
        %add3A_329 = arith.addi %add3A_328, %rem3A_103 : vector<16xi32>
        %gather3A_330 = tpu.vector_load_idx %arg4[%add3A_223, %add3A_329] : memref<64x128xf32, #tpu.memory_space<vmem>>[vector<16xi32>, vector<16xi32>], vector<16xf32>,
        %mul3A_331 = arith.constant 64 : i32
        %mul3A_332 = vector.broadcast %mul3A_331 : i32 to vector<16xi32>
        %mul3A_333 = arith.muli %add3A_329, %mul3A_332 : vector<16xi32>
        %add3A_334 = arith.addi %mul3A_333, %add3A_223 : vector<16xi32>
        tpu.vector_store_idx %arg6[%add3A_334], %gather3A_330 : memref<8192xf32, #tpu.memory_space<vmem>>[vector<16xi32>], vector<16xf32>,
      }
      %scan3A_185 = arith.constant 32 : i32
      %add3A_186 = arith.addi %add3A_8, %sub3A_167 : i32
      %mul3A_187 = arith.constant 8192 : i32
      %mul3A_188 = arith.muli %add3A_186, %mul3A_187 : i32
      %dma_start3A_189 = tpu.memref_slice %arg3[%mul3A_188] : memref<63995904xf32, #tpu.memory_space<hbm>> -> memref<8192xf32, #tpu.memory_space<hbm>>
      %dma_start3A_190 = tpu.memref_slice %arg3[%mul3A_188] : memref<63995904xf32, #tpu.memory_space<hbm>> -> memref<8192xf32, #tpu.memory_space<hbm>>
      tpu.enqueue_dma source(%arg6 : memref<8192xf32, #tpu.memory_space<vmem>>) target(%dma_start3A_190 : memref<8192xf32, #tpu.memory_space<hbm>>) target_semaphore(%arg10 : memref<!tpu.dma_semaphore, #tpu.memory_space<semaphore_mem>>)
    } else {
    }
    %sub3A_149 = arith.constant 2 : i32
    %sub3A_150 = arith.subi %add3A_4, %sub3A_149 : i32
    %add3A_151 = arith.constant 0 : i32
    %add3A_152 = arith.addi %sub3A_150, %add3A_151 : i32
    %ge3A = arith.constant 0 : i32
    %ge3A_153 = arith.cmpi sge, %add3A_152, %ge3A : i32
    %convert_element_type3A_154 = arith.extui %ge3A_153 : i1 to i32
    %cond3A_155 = arith.constant 0 : i32
    %cond3A_156 = arith.cmpi ne, %convert_element_type3A_154, %cond3A_155 : i32
    scf.if %cond3A_156 {
      %add3A_166 = arith.addi %add3A_8, %add3A_4 : i32
      %sub3A_167 = arith.constant 2 : i32
      %sub3A_168 = arith.subi %add3A_166, %sub3A_167 : i32
      %add3A_169 = arith.constant 0 : i32
      %add3A_170 = arith.addi %sub3A_168, %add3A_169 : i32
      %mul3A_171 = arith.constant 8192 : i32
      %mul3A_172 = arith.muli %add3A_170, %mul3A_171 : i32
      %dma_wait3A = tpu.memref_slice %arg3[%mul3A_172] : memref<63995904xf32, #tpu.memory_space<hbm>> -> memref<8192xf32, #tpu.memory_space<hbm>>
      %dma_wait3A_173 = tpu.memref_slice %arg3[%mul3A_172] : memref<63995904xf32, #tpu.memory_space<hbm>> -> memref<8192xf32, #tpu.memory_space<hbm>>
      tpu.wait_dma2 semaphore(%arg10 : memref<!tpu.dma_semaphore, #tpu.memory_space<semaphore_mem>>) src(%arg6 : memref<8192xf32, #tpu.memory_space<vmem>>) dst(%dma_wait3A_173 : memref<8192xf32, #tpu.memory_space<hbm>>)
    } else {
    }
    %sub3A_157 = arith.constant 2 : i32
    %sub3A_158 = arith.subi %add3A_4, %sub3A_157 : i32
    %add3A_159 = arith.constant 1 : i32
    %add3A_160 = arith.addi %sub3A_158, %add3A_159 : i32
    %ge3A_161 = arith.constant 0 : i32
    %ge3A_162 = arith.cmpi sge, %add3A_160, %ge3A_161 : i32
    %convert_element_type3A_163 = arith.extui %ge3A_162 : i1 to i32
    %cond3A_164 = arith.constant 0 : i32
    %cond3A_165 = arith.cmpi ne, %convert_element_type3A_163, %cond3A_164 : i32
    scf.if %cond3A_165 {
      %add3A_166 = arith.addi %add3A_8, %add3A_4 : i32
      %sub3A_167 = arith.constant 2 : i32
      %sub3A_168 = arith.subi %add3A_166, %sub3A_167 : i32
      %add3A_169 = arith.constant 1 : i32
      %add3A_170 = arith.addi %sub3A_168, %add3A_169 : i32
      %mul3A_171 = arith.constant 8192 : i32
      %mul3A_172 = arith.muli %add3A_170, %mul3A_171 : i32
      %dma_wait3A = tpu.memref_slice %arg3[%mul3A_172] : memref<63995904xf32, #tpu.memory_space<hbm>> -> memref<8192xf32, #tpu.memory_space<hbm>>
      %dma_wait3A_173 = tpu.memref_slice %arg3[%mul3A_172] : memref<63995904xf32, #tpu.memory_space<hbm>> -> memref<8192xf32, #tpu.memory_space<hbm>>
      tpu.wait_dma2 semaphore(%arg11 : memref<!tpu.dma_semaphore, #tpu.memory_space<semaphore_mem>>) src(%arg7 : memref<8192xf32, #tpu.memory_space<vmem>>) dst(%dma_wait3A_173 : memref<8192xf32, #tpu.memory_space<hbm>>)
    } else {
    }
    return
  }
}

</mosaic_0001>

<sc_bundles>
// kernel: _table_rowmajor.3.cloned.1.call-start
scs
__scs_entry_jumppad:
0x0: {  	(pc) =	sbr.rel $0x88, $3  }
0x1: {  	(tag) =	ssettag $0x0;
	lr =	simm.s32 $0x1  }
0x2: {  	[smem:$0x3FA0] =	sst lr;
	_ =	strace $0xD0000000  }
0x3: {  	_ = 	snop  }
0x4: {  	_ = 	snop  }
0x5: {  	_ = 	snop  }
0x6: {  	_ = 	snop  }
0x7: {  	_ = 	snop  }
__scs_overlays_trampoline_lowered:
0x8: {  	[smem:$0x3FAF] =	sst s0  }
0x9: {  	[smem:$0x3FB0] =	sst s1  }
0xa: {  	[smem:$0x3FB1] =	sst s2  }
0xb: {  	[smem:$0x3FB2] =	sst s3  }
0xc: {  	[smem:$0x3FB3] =	sst s4  }
0xd: {  	[smem:$0x3FB4] =	sst s5  }
0xe: {  	[smem:$0x3FB5] =	sst s6  }
0xf: {  	[smem:$0x3FB6] =	sst s7  }
0x10: {  	[smem:$0x3FB7] =	sst s8  }
0x11: {  	[smem:$0x3FB8] =	sst s9;
	s0 =	simm.s32 @!p0 $0x0  }
0x12: {  	s1 =	sld [smem:$0x3F9E];
	s0 =	simm.s32 @p0 $0x1  }
0x13: {  	[smem:$0x3FB9] =	sst s0;
	s0 =	simm.s32 @!p1 $0x0  }
0x14: {  	s2 =	sld [smem:$0x3F9D];
	s0 =	simm.s32 @p1 $0x1  }
0x15: {  	[smem:$0x3FBA] =	sst s0;
	s0 =	simm.s32 @!p2 $0x0  }
0x16: {  	s3 =	sld [smem:$0x3FDB];
	s0 =	simm.s32 @p2 $0x1  }
0x17: {  	s4 =	simm.s32 $0x1BF5;
	[smem:$0x3FBC] =	sst s0  }
0x18: {  	s0 =	sld [smem:$0x3F9F];
	_ =	swait.ge [sflag:s4], $0x0  }
0x19: {  	s7 =	sld [smem:$0x3FA0]  }
0x1a: {  	s8 =	sadd.s32 $0xFFFFE003, lr  }
0x1b: {  	s9 =	sadd.s32 $0xFFFFFEF7, lr;
	s5 =	simm.s32 $0xFFFFFFFF;
	p2 =	slt.u32 s8, $0xFFFFF086  }
0x1c: {  	p1 =	slt.u32 s9, $0xF7A;
	s5 =	simm.s32 @!p2 $0x0  }
0x1d: {  	s5 =	simm.s32 @p1 $0x1;
	p0 =	seq.s32 s7, s2  }
0x1e: {  	s7 =	smul.u32 @!p0 $0xF7A, s2;
	p2 =	seq.s32 @!p0 s5, $0x0  }
0x1f: {  	s9 =	smul.u32 $0xF7A, s1;
	s8 =	simm.s32 @!p0 $0x1BF5;
	p2 =	por !p2, p0  }
0x20: {  	[sflag:s8] =	ssyncset.s32 @!p0 $0xFFFFF086;
	s6 =	sadd.s32 @!p0 s3, s7;
	s7 =	simm.s32 @!p0 $0x108  }
0x21: {  	s3 =	sadd.s32 s3, s9;
	s6 =	sadd.s32 @!p0 $0x88, s6;
	s7 =	simm.s32 @p2 $0x1082  }
0x22: {  	[simem:s7], [sflag:s8] =	dma.local @!p0 [hbm:s6], $0xF7A  }
0x23: {  	s9 =	sor.u32 $0xD0000000, s2;
	s6 =	simm.s32 $0x108;
	_ =	swait.ge @!p0 [sflag:s8], $0x0  }
0x24: {  	s3 =	sadd.s32 $0x88, s3;
	s6 =	simm.s32 @!p1 $0x1082;
	[sflag:s4] =	ssyncset.s32 $0xFFFFF086  }
0x25: {  	[simem:s6], [sflag:s4] =	dma.local [hbm:s3], $0xF7A  }
0x26: {  	[smem:$0x3FA0] =	sst s1;
	(tag) =	ssettag s2;
	_ =	strace s9  }
0x27: {  	s1 =	sld [smem:$0x3FB0]  }
0x28: {  	s2 =	sld [smem:$0x3FB1]  }
0x29: {  	s4 =	sld [smem:$0x3FB3]  }
0x2a: {  	p0 =	seq.s32 s5, $0x0;
	s5 =	sld [smem:$0x3FB4]  }
0x2b: {  	s6 =	sld [smem:$0x3FB5]  }
0x2c: {  	s7 =	sld [smem:$0x3FB6]  }
0x2d: {  	s3 =	simm.s32 $0x108;
	s8 =	sld [smem:$0x3FB7]  }
0x2e: {  	s3 =	simm.s32 @!p0 $0x1082;
	s9 =	sld [smem:$0x3FB8]  }
0x2f: {  	lr =	sadd.s32 s0, s3;
	s0 =	sld [smem:$0x3FAF]  }
0x30: {  	s3 =	sld [smem:$0x3FB2]  }
0x31: {  	[smem:$0x3FBB] =	sst s10  }
0x32: {  	s10 =	sld [smem:$0x3FB9];
	_ =	sdelay $0x3  }
0x33: {  	p0 =	seq.s32 s10, $0x1;
	s10 =	sld [smem:$0x3FBB];
	_ =	sdelay $0x3  }
0x34: {  	[smem:$0x3FBB] =	sst s10  }
0x35: {  	s10 =	sld [smem:$0x3FBA];
	_ =	sdelay $0x3  }
0x36: {  	p1 =	seq.s32 s10, $0x1;
	s10 =	sld [smem:$0x3FBB];
	_ =	sdelay $0x3  }
0x37: {  	[smem:$0x3FBB] =	sst s10  }
0x38: {  	s10 =	sld [smem:$0x3FBC]  }
0x39: {  	_ = 	snop;
	(pc) =	sbr.ind lr, $3  }
0x3a: {  	_ = 	snop  }
0x3b: {  	_ = 	snop  }
0x3c: {  	p2 =	seq.s32 s10, $0x1;
	s10 =	sld [smem:$0x3FBB]  }
0x3d: {  	_ =	shalt  }
0x3e: {  	_ =	shalt  }
0x3f: {  	_ =	shalt  }
0x40: {  	_ =	shalt  }
0x41: {  	_ =	shalt  }
0x42: {  	_ =	shalt  }
0x43: {  	_ =	shalt  }
0x44: {  	_ =	shalt  }
0x45: {  	_ =	shalt  }
0x46: {  	_ =	shalt  }
0x47: {  	_ =	shalt  }
0x48: {  	_ =	shalt  }
0x49: {  	_ =	shalt  }
0x4a: {  	_ =	shalt  }
0x4b: {  	_ =	shalt  }
0x4c: {  	_ =	shalt  }
0x4d: {  	_ =	shalt  }
0x4e: {  	_ =	shalt  }
0x4f: {  	_ =	shalt  }
0x50: {  	_ =	shalt  }
0x51: {  	_ =	shalt  }
0x52: {  	_ =	shalt  }
0x53: {  	_ =	shalt  }
0x54: {  	_ =	shalt  }
0x55: {  	_ =	shalt  }
0x56: {  	_ =	shalt  }
0x57: {  	_ =	shalt  }
0x58: {  	_ =	shalt  }
0x59: {  	_ =	shalt  }
0x5a: {  	_ =	shalt  }
0x5b: {  	_ =	shalt  }
0x5c: {  	_ =	shalt  }
0x5d: {  	_ =	shalt  }
0x5e: {  	_ =	shalt  }
0x5f: {  	_ =	shalt  }
0x60: {  	_ =	shalt  }
0x61: {  	_ =	shalt  }
0x62: {  	_ =	shalt  }
0x63: {  	_ =	shalt  }
0x64: {  	_ =	shalt  }
0x65: {  	_ =	shalt  }
0x66: {  	_ =	shalt  }
0x67: {  	_ =	shalt  }
0x68: {  	_ =	shalt  }
0x69: {  	_ =	shalt  }
0x6a: {  	_ =	shalt  }
0x6b: {  	_ =	shalt  }
0x6c: {  	_ =	shalt  }
0x6d: {  	_ =	shalt  }
0x6e: {  	_ =	shalt  }
0x6f: {  	_ =	shalt  }
0x70: {  	_ =	shalt  }
0x71: {  	_ =	shalt  }
0x72: {  	_ =	shalt  }
0x73: {  	_ =	shalt  }
0x74: {  	_ =	shalt  }
0x75: {  	_ =	shalt  }
0x76: {  	_ =	shalt  }
0x77: {  	_ =	shalt  }
0x78: {  	_ =	shalt  }
0x79: {  	_ =	shalt  }
0x7a: {  	_ =	shalt  }
0x7b: {  	_ =	shalt  }
0x7c: {  	_ =	shalt  }
0x7d: {  	_ =	shalt  }
0x7e: {  	_ =	shalt  }
0x7f: {  	_ =	shalt  }
0x80: {  	_ =	shalt  }
0x81: {  	_ =	shalt  }
0x82: {  	_ =	shalt  }
0x83: {  	_ =	shalt  }
0x84: {  	_ =	shalt  }
0x85: {  	_ =	shalt  }
0x86: {  	_ =	shalt  }
0x87: {  	_ =	shalt  }
.Lfunc_end0:
.L_simem_size_0:
called_computation_lowered:
.L_overlay_start_0:
0x88: {  	s2 =	sld [smem:$0x3FD9]  }
0x89: {  	s3 =	sld [smem:$0x3FFE];
	_ =	sdelay $0x1  }
0x8a: {  	s1 =	srdreg.scid  }
0x8b: {  	s0 =	sand.u32 $0x1, s1  }
0x8c: {  	s18 =	sshll.u32 s0, $0xA;
	s2 =	sadd.s32 s3, s2  }
0x8d: {  	s2 =	sadd.s32 s2, s18  }
0x8e: {  	[smem:$0x3FC7] =	sst s2  }
0x8f: {  	_ = 	snop  }
0x90: {  	s2 =	sld [smem:$0x3FC9]  }
0x91: {  	s19 =	sld [smem:$0x3FD0];
	(tm) =	ssettm $0x1  }
0x92: {  	s4 =	sld [smem:$0x3FFB];
	_ =	sdelay $0x3  }
0x93: {  	_ =	strace s4  }
0x94: {  	s4 =	sld [smem:$0x3FFC];
	_ =	sdelay $0x3  }
0x95: {  	_ =	strace s4  }
0x96: {  	s4 =	sld [smem:$0x3FFD];
	_ =	sdelay $0x3  }
0x97: {  	_ =	strace s4  }
0x98: {  	_ =	strace $0x8FFFFFFF  }
0x99: {  	s20 =	sld [smem:$0x3FDB];
	_ =	sdelay $0x1  }
0x9a: {  	s5 =	simm.s32 $_scs_section_size  }
0x9b: {  	s6 =	simm.s32 $_size__tile_overlayer_lowered;
	s7 =	simm.s32 $_tile_overlayer_lowered  }
0x9c: {  	s23 =	simm.s32 $0x1BFF;
	s22 =	sshll.u32 s7, $0x1;
	s4 =	sadd.s32 s5, s20  }
0x9d: {  	s8 =	simm.s32 $0x0;
	s21 =	sshll.u32 s6, $0x1;
	s6 =	sadd.s32 s22, s4  }
0x9e: {  	[timem:s8], [sflag:s23] =	dma.local [hbm:s6], s21  }
0x9f: {  	_ =	swait.ge [sflag:s23], s21  }
0xa0: {  	s5 =	ssub.s32 $0x0, s21;
	[sflag:s23] =	ssyncset.done $0x0  }
0xa1: {  	[sflag:s23] =	ssyncadd.s32 s5;
	_ =	sdelay $0x1  }
0xa2: {  	s24 =	simm.s32 $0x1B8B  }
0xa3: {  	_ =	swait.ge [sflag:s24], $0x1  }
0xa4: {  	[sflag:s24] =	ssyncset.done $0x0  }
0xa5: {  	s25 =	simm.s32 $0x1B8E;
	[sflag:s24] =	ssyncadd.s32 $0xFFFFFFFF  }
0xa6: {  	s26 =	simm.s32 $execute0_lowered;
	[smem:$0x3FD2] =	sst s25  }
0xa7: {  	s5 =	sshll.u32 s26, $0x1;
	_ =	strace $0x80000046;
	[dreg:$0x1] =	wrdreg $0xFFFFFFFF  }
0xa8: {  	s28 =	simm.s32 $_size_execute0_lowered;
	s4 =	sadd.s32 s4, s5;
	[dreg:$0x0] =	wrdreg $0x0  }
0xa9: {  	s5 =	sshll.u32 s28, $0x1;
	[dreg:$0x2] =	wrdreg s4  }
0xaa: {  	[dreg:$0x3] =	wrdreg s5  }
0xab: {  	[dreg:$0x4] =	wrdreg $0xC0  }
0xac: {  	_ =	task [dreg:s8], $0x5FFFF  }
0xad: {  	[dreg:$0x1] =	wrdreg $0xFFFFFFFF  }
0xae: {  	[dreg:$0x0] =	wrdreg $0x60  }
0xaf: {  	[dreg:$0x2] =	wrdreg s2  }
0xb0: {  	[dreg:$0x3] =	wrdreg s19  }
0xb1: {  	[dreg:$0x4] =	wrdreg $0x9  }
0xb2: {  	_ =	task.clear_ibuf [dreg:s8], $0x5FFFF;
	_ =	strace $0x90000046  }
0xb3: {  	s29 =	simm.s32 $0x9;
	_ =	strace $0x80000048  }
0xb4: {  	_ =	swait.ge [sflag:s29], $0x1  }
0xb5: {  	[sflag:s29] =	ssyncadd.s32 $0xFFFFFFFF  }
0xb6: {  	_ =	strace $0x90000048  }
0xb7: {  	_ =	sfence  }
0xb8: {  	s30 =	sld [smem:$0x0];
	_ =	sdelay $0x2  }
0xb9: {  	s31 =	sshll.u32 s1, $0xD;
	s1 =	sshrl.u32 s1, $0x2  }
0xba: {  	s3 =	sand.u32 $0x4000, s31;
	s1 =	sadd.s32 s1, s30  }
0xbb: {  	s0 =	sor.u32 s3, s0;
	s1 =	sshll.u32 s1, $0x11  }
0xbc: {  	s0 =	sor.u32 s1, s0  }
0xbd: {  	s0 =	sadd.s32 $0x8F2B, s0  }
0xbe: {  	[sflag:s0] =	ssyncadd.remote.s32 $0x1  }
0xbf: {  	_ =	sfence.sel $0xFFFF  }
0xc0: {  	[dreg:$0x0] =	wrdreg $0xFFFFFFFF;
	(pc) =	sbr.abs _section_cstart, $3  }
0xc1: {  	[dreg:$0x1] =	wrdreg $0xFFFFFFFF  }
0xc2: {  	_ =	task.clear_ibuf [dreg:s8], $0x2FFFF;
	_ =	strace $0x9FFFFFFF  }
0xc3: {  	(tm) =	ssettm $0x7FFFFFFF  }
tec
execute0_lowered:
.L_overlay_start_1:
0x0: {  	(tag) =	ssettag $0x1  }
0x1: {  	v0 =	vimm.s32 $0xFEDCBA9  }
0x2: {  	v2 =	vimm.s32 $0x87654321;
	v3 =	vimm.s32 $0x98765432;
	v4 =	vimm.s32 $0x210FEDCB  }
0x3: {  	v5 =	vimm.s32 $0xA9876543;
	v15 =	vimm.s32 $0xCBA98765;
	v17 =	vimm.s32 $0x6543210F  }
0x4: {  	v18 =	vimm.s32 $0xEDCBA987;
	v19 =	vimm.s32 $0xFEDCBA98;
	v20 =	vimm.s32 $0x76543210  }
0x5: {  	v1 =	vunpack.c.l.s4.s8 v0;
	v0 =	vlaneseq.u32;
	v3 =	vunpack.c.l.s4.s8 v3  }
0x6: {  	v4 =	vunpack.c.l.s4.s8 v4;
	v17 =	vunpack.c.l.s4.s8 v17;
	v18 =	vunpack.c.l.s4.s8 v18  }
0x7: {  	v19 =	vunpack.c.l.s4.s8 v19;
	v7 =	vunpack.c.0.s8.s32 v1;
	v1 =	vunpack.c.l.s4.s8 v2  }
0x8: {  	v2 =	vimm.s32 $0x10FEDCBA;
	v10 =	vunpack.c.0.s8.s32 v3;
	v11 =	vunpack.c.0.s8.s32 v4  }
0x9: {  	v17 =	vunpack.c.0.s8.s32 v17;
	v18 =	vunpack.c.0.s8.s32 v18;
	v2 =	vunpack.c.l.s4.s8 v2  }
0xa: {  	v19 =	vunpack.c.0.s8.s32 v19;
	v8 =	vunpack.c.0.s8.s32 v1;
	v1 =	vunpack.c.l.s4.s8 v5  }
0xb: {  	v23 =	vcombine.low v18, v17;
	v9 =	vunpack.c.0.s8.s32 v2;
	v2 =	vimm.s32 $0x3210FEDC  }
0xc: {  	s9 =	rddreg [dreg:$0x0];
	s1 =	srdreg.scid;
	v19 =	vand.u32 $0xF, v19;
	v12 =	vunpack.c.0.s8.s32 v1;
	v1 =	vunpack.c.l.s4.s8 v2  }
0xd: {  	s0 =	stileid.u32;
	s2 =	rddreg [dreg:$0x1];
	v2 =	vimm.s32 $0xBA987654;
	v3 =	vcombine.low v8, v7;
	v63 =	vcombine.low v7, v8  }
0xe: {  	s3 =	simm.s32 $0x0;
	s8 =	simm.s32 $0xF4;
	s10 =	simm.s32 $0xF5;
	v8 =	vand.u32 $0xF, v23;
	v4 =	vcombine.low v10, v9;
	v2 =	vunpack.c.l.s4.s8 v2  }
0xf: {  	s13 =	simm.s32 $0x7A1400;
	s14 =	simm.s32 $0x2000;
	s15 =	simm.s32 $0x1;
	v10 =	vcombine.low v9, v10;
	v5 =	vcombine.low v12, v11;
	v13 =	vunpack.c.0.s8.s32 v1  }
0x10: {  	s16 =	simm.s32 $0x4000;
	s17 =	simm.s32 $0x2;
	s18 =	simm.s32 $0x6000;
	v1 =	vimm.s32 $0x43210FED;
	v11 =	vcombine.low v11, v12;
	v14 =	vunpack.c.0.s8.s32 v2  }
0x11: {  	s20 =	simm.s32 $0x4;
	s4 =	sand.u32 $0x1, s1;
	s1 =	rddreg [dreg:$0x2];
	v6 =	vunpack.c.l.s4.s8 v1;
	v2 =	vand.u32 $0xF, v4;
	v4 =	vunpack.c.l.s4.s8 v15  }
0x12: {  	s21 =	simm.s32 $0x0;
	s5 =	sshll.u32 s0, $0x1;
	[smem:$0x7FF] =	sst s3;
	v9 =	vand.u32 $0xF, v63;
	v1 =	vand.u32 $0xF, v3;
	v10 =	vand.u32 $0xF, v10  }
0x13: {  	p0 =	slt.u32 s0, $0x2;
	s5 =	sor.u32 s4, s5;
	_ =	strace $0x80000047;
	v3 =	vand.u32 $0xF, v5;
	v15 =	vunpack.c.0.s8.s32 v6;
	v16 =	vunpack.c.0.s8.s32 v4  }
0x14: {  	s6 =	ssub.s32 $0x2, s4;
	s8 =	simm.s32 @!p0 $0xF3;
	s10 =	simm.s32 @!p0 $0xF4;
	v4 =	vimm.s32 $0x543210FE;
	v6 =	vimm.s32 $0xDCBA9876;
	v12 =	vcombine.low v13, v14  }
0x15: {  	s30 =	smul.u32 $0xF4, s5;
	s7 =	sshrl.u32 s6, $0x1;
	s5 =	smin.u32 s5, $0x4;
	v11 =	vand.u32 $0xF, v11;
	v4 =	vunpack.c.l.s4.s8 v4;
	v6 =	vunpack.c.l.s4.s8 v6  }
0x16: {  	s19 =	sand.u32 $0x1, s10;
	s11 =	ssub.s32 s6, s7;
	s7 =	sadd.s32 $0xFFFFFFFE, s10;
	v5 =	vcombine.low v14, v13;
	v13 =	vcombine.low v15, v16;
	v12 =	vand.u32 $0xF, v12  }
.Ltmp0:
0x17: {  	p0 =	seq.s32 s19, $0x0;
	s4 =	sadd.s32 s5, s30;
	v21 =	vunpack.c.0.s8.s32 v4;
	v22 =	vunpack.c.0.s8.s32 v6;
	v6 =	vunpack.c.l.s4.s8 v20;
	(pc) =	sbr.rel .LBB2_1-.Ltmp0, $4  }
0x18: {  	s19 =	simm.s32 $0x3;
	s5 =	sshll.u32 s4, $0x7;
	s31 =	sadd.s32 s8, s4;
	v4 =	vand.u32 $0xF, v5;
	v5 =	vcombine.low v16, v15;
	v15 =	vcombine.low v17, v18  }
0x19: {  	s11 =	smax.u32 s11, $0x1;
	s5 =	sadd.s32 s9, s5;
	s8 =	sshll.u32 s31, $0xA;
	v6 =	vunpack.c.0.s8.s32 v6;
	v62 =	vcombine.low v22, v21;
	v14 =	vcombine.low v21, v22  }
0x1a: {  	s9 =	sadd.s32 $0x100, s9;
	s6 =	sadd.s32 $0x80, s5;
	s12 =	sand.u32 $0x1FFFFC00, s8;
	v13 =	vand.u32 $0xF, v13;
	v5 =	vand.u32 $0xF, v5;
	v15 =	vand.u32 $0xF, v15  }
0x1b: {  	s8 =	sadd.s32 $0xFFFFFFFD, s10;
	s10 =	sadd.s32 s2, s12;
	s12 =	simm.s32 $0x400;
	v6 =	vcombine.low v19, v6;
	v7 =	vand.u32 $0xF, v62;
	v14 =	vand.u32 $0xF, v14  }
.LBB2_11:
0x1c: {  	s21 =	sadd.s32 $0x1, s21  }
0x1d: {  	_ =	swait.ge [sflag:s19], $0x2000;
	p1 =	sne.s32 s21, s11  }
.Ltmp1:
0x1e: {  	[sflag:s19] =	ssyncset.done $0x0;
	(pc) =	sbr.rel @!p1 .LBB2_12-.Ltmp1, $4  }
0x1f: {  	[sflag:s19] =	ssyncadd.s32 $0xFFFFE000  }
0x20: {  	_ =	swait.ge [sflag:s20], $0x2000  }
0x21: {  	[sflag:s20] =	ssyncset.done $0x0  }
0x22: {  	[sflag:s20] =	ssyncadd.s32 $0xFFFFE000  }
.LBB2_1:
0x23: {  	[tilespmem:s3], [sflag:$0x1] =	stream.strided.gather [hbm4b:s5+s12], $0x2000, s13, s12, $0x38;
	[tilespmem:$0x8000] =	vst v63  }
0x24: {  	s22 =	simm.s32 $0x0  }
0x25: {  	[tilespmem:s14], [sflag:$0x2] =	stream.strided.gather [hbm4b:s6+s12], $0x2000, s13, s12, $0x38;
	[tilespmem:$0x8000] =	vst v63  }
.LBB2_2:
0x26: {  	s23 =	simm.s32 $0x0  }
0x27: {  	s24 =	sand.u32 $0x30, s23  }
0x28: {  	s25 =	sand.u32 $0x70, s23;
	v16 =	vor.u32 s24, v0  }
0x29: {  	_ =	swait.ge [sflag:s15], $0x2000;
	v17 =	vor.u32 s25, v0;
	v19 =	vshll.u32 v16, $0x7  }
0x2a: {  	p1 =	seq.s32 s22, $0x0;
	[sflag:s15] =	ssyncset.done $0x0;
	v18 =	vor.u32 v17, v19  }
0x2b: {  	s23 =	simm.s32 @!p1 $0x3;
	[sflag:s15] =	ssyncadd.s32 $0xFFFFE000  }
0x2c: {  	_ =	swait.ge @!p1 [sflag:s23], $0x2000  }
0x2d: {  	[sflag:s23] =	ssyncset.done @!p1 $0x0  }
0x2e: {  	v17 =	vshll.u32 v17, $0x6;
	[sflag:s23] =	ssyncadd.s32 @!p1 $0xFFFFE000  }
0x2f: {  	v20 =	vor.u32 s25, v1;
	v17 =	vor.u32 v16, v17;
	v18 =	vld.idx.msk [tilespmem:v18+s3+$0x0], $0xffff  }
0x30: {  	v21 =	vor.u32 v20, v19;
	_ =	sdelay $0x3  }
0x31: {  	[tilespmem:v17+s16+$0x0] =	vst.idx.msk $0xffff, v18;
	v17 =	vshll.u32 v20, $0x6  }
0x32: {  	v20 =	vor.u32 s25, v2;
	v18 =	vld.idx.msk [tilespmem:v21+s3+$0x0], $0xffff;
	v17 =	vor.u32 v16, v17  }
0x33: {  	v50 =	vor.u32 v20, v19;
	_ =	sdelay $0x3  }
0x34: {  	[tilespmem:v17+s16+$0x0] =	vst.idx.msk $0xffff, v18;
	v17 =	vshll.u32 v20, $0x6  }
0x35: {  	v20 =	vor.u32 s25, v3;
	v18 =	vld.idx.msk [tilespmem:v50+s3+$0x0], $0xffff;
	v17 =	vor.u32 v16, v17  }
0x36: {  	v51 =	vor.u32 v20, v19;
	_ =	sdelay $0x3  }
0x37: {  	[tilespmem:v17+s16+$0x0] =	vst.idx.msk $0xffff, v18;
	v17 =	vshll.u32 v20, $0x6  }
0x38: {  	v20 =	vor.u32 s25, v4;
	v18 =	vld.idx.msk [tilespmem:v51+s3+$0x0], $0xffff;
	v17 =	vor.u32 v16, v17  }
0x39: {  	v52 =	vor.u32 v20, v19;
	_ =	sdelay $0x3  }
0x3a: {  	[tilespmem:v17+s16+$0x0] =	vst.idx.msk $0xffff, v18;
	v17 =	vshll.u32 v20, $0x6  }
0x3b: {  	v20 =	vor.u32 s25, v5;
	v18 =	vld.idx.msk [tilespmem:v52+s3+$0x0], $0xffff;
	v17 =	vor.u32 v16, v17  }
0x3c: {  	v53 =	vor.u32 v20, v19;
	_ =	sdelay $0x3  }
0x3d: {  	[tilespmem:v17+s16+$0x0] =	vst.idx.msk $0xffff, v18;
	v17 =	vshll.u32 v20, $0x6  }
0x3e: {  	v20 =	vor.u32 s25, v7;
	v18 =	vld.idx.msk [tilespmem:v53+s3+$0x0], $0xffff;
	v17 =	vor.u32 v16, v17  }
0x3f: {  	v54 =	vor.u32 v20, v19;
	_ =	sdelay $0x3  }
0x40: {  	[tilespmem:v17+s16+$0x0] =	vst.idx.msk $0xffff, v18;
	v17 =	vshll.u32 v20, $0x6  }
0x41: {  	v20 =	vor.u32 s25, v8;
	v18 =	vld.idx.msk [tilespmem:v54+s3+$0x0], $0xffff;
	v17 =	vor.u32 v16, v17  }
0x42: {  	v55 =	vor.u32 v20, v19;
	_ =	sdelay $0x3  }
0x43: {  	[tilespmem:v17+s16+$0x0] =	vst.idx.msk $0xffff, v18;
	v17 =	vshll.u32 v20, $0x6  }
0x44: {  	v20 =	vor.u32 s25, v6;
	v18 =	vld.idx.msk [tilespmem:v55+s3+$0x0], $0xffff;
	v17 =	vor.u32 v16, v17  }
0x45: {  	v56 =	vor.u32 v20, v19;
	_ =	sdelay $0x3  }
0x46: {  	[tilespmem:v17+s16+$0x0] =	vst.idx.msk $0xffff, v18;
	v17 =	vshll.u32 v20, $0x6  }
0x47: {  	v20 =	vor.u32 s25, v9;
	v18 =	vld.idx.msk [tilespmem:v56+s3+$0x0], $0xffff;
	v17 =	vor.u32 v16, v17  }
0x48: {  	v57 =	vor.u32 v20, v19;
	_ =	sdelay $0x3  }
0x49: {  	[tilespmem:v17+s16+$0x0] =	vst.idx.msk $0xffff, v18;
	v17 =	vshll.u32 v20, $0x6  }
0x4a: {  	v20 =	vor.u32 s25, v10;
	v18 =	vld.idx.msk [tilespmem:v57+s3+$0x0], $0xffff;
	v17 =	vor.u32 v16, v17  }
0x4b: {  	v58 =	vor.u32 v20, v19;
	_ =	sdelay $0x3  }
0x4c: {  	[tilespmem:v17+s16+$0x0] =	vst.idx.msk $0xffff, v18;
	v17 =	vshll.u32 v20, $0x6  }
0x4d: {  	v20 =	vor.u32 s25, v11;
	v18 =	vld.idx.msk [tilespmem:v58+s3+$0x0], $0xffff;
	v17 =	vor.u32 v16, v17  }
0x4e: {  	v59 =	vor.u32 v20, v19;
	_ =	sdelay $0x3  }
0x4f: {  	[tilespmem:v17+s16+$0x0] =	vst.idx.msk $0xffff, v18;
	v17 =	vshll.u32 v20, $0x6  }
0x50: {  	v20 =	vor.u32 s25, v12;
	v18 =	vld.idx.msk [tilespmem:v59+s3+$0x0], $0xffff;
	v17 =	vor.u32 v16, v17  }
0x51: {  	v60 =	vor.u32 v20, v19;
	_ =	sdelay $0x3  }
0x52: {  	[tilespmem:v17+s16+$0x0] =	vst.idx.msk $0xffff, v18;
	v17 =	vshll.u32 v20, $0x6  }
0x53: {  	v20 =	vor.u32 s25, v13;
	v18 =	vld.idx.msk [tilespmem:v60+s3+$0x0], $0xffff;
	v17 =	vor.u32 v16, v17  }
0x54: {  	v61 =	vor.u32 v20, v19;
	_ =	sdelay $0x3  }
0x55: {  	[tilespmem:v17+s16+$0x0] =	vst.idx.msk $0xffff, v18;
	v17 =	vshll.u32 v20, $0x6  }
0x56: {  	v20 =	vor.u32 s25, v14;
	v18 =	vld.idx.msk [tilespmem:v61+s3+$0x0], $0xffff;
	v17 =	vor.u32 v16, v17  }
0x57: {  	v62 =	vor.u32 v20, v19;
	_ =	sdelay $0x3  }
0x58: {  	[tilespmem:v17+s16+$0x0] =	vst.idx.msk $0xffff, v18;
	v17 =	vshll.u32 v20, $0x6  }
0x59: {  	v18 =	vor.u32 s25, v15;
	v20 =	vld.idx.msk [tilespmem:v62+s3+$0x0], $0xffff;
	v63 =	vor.u32 v16, v17  }
0x5a: {  	v17 =	vor.u32 v18, v19;
	_ =	sdelay $0x1  }
0x5b: {  	s26 =	simm.s32 $0x10  }
0x5c: {  	s29 =	sand.u32 $0x30, s26;
	s23 =	sshll.u32 s22, $0x1  }
0x5d: {  	s26 =	simm.s32 $0x4;
	s24 =	sadd.s32 s4, s23;
	s25 =	simm.s32 $0x20;
	[tilespmem:v63+s16+$0x0] =	vst.idx.msk $0xffff, v20  }
.LBB2_3:
0x5e: {  	p2 =	sne.s32 s25, $0x1F0;
	s28 =	sand.u32 $0x70, s26;
	v19 =	vor.u32 s29, v0;
	v20 =	vld.idx.msk [tilespmem:v17+s3+$0x0], $0xffff;
	v18 =	vshll.u32 v18, $0x6  }
0x5f: {  	v21 =	vor.u32 s28, v0;
	v17 =	vshll.u32 v19, $0x7;
	v18 =	vor.u32 v16, v18;
	v16 =	vmovc v19  }
0x60: {  	v19 =	vor.u32 v21, v17;
	_ =	sdelay $0x3  }
0x61: {  	[tilespmem:v18+s16+$0x0] =	vst.idx.msk $0xffff, v20  }
0x62: {  	v18 =	vld.idx.msk [tilespmem:v19+s3+$0x0], $0xffff;
	v19 =	vshll.u32 v21, $0x6  }
0x63: {  	v20 =	vor.u32 s28, v1;
	v19 =	vor.u32 v16, v19  }
0x64: {  	v21 =	vor.u32 v20, v17;
	_ =	sdelay $0x3  }
0x65: {  	[tilespmem:v19+s16+$0x0] =	vst.idx.msk $0xffff, v18  }
0x66: {  	v19 =	vshll.u32 v20, $0x6;
	v18 =	vld.idx.msk [tilespmem:v21+s3+$0x0], $0xffff  }
0x67: {  	v20 =	vor.u32 s28, v2;
	v19 =	vor.u32 v16, v19  }
0x68: {  	v21 =	vor.u32 v20, v17;
	_ =	sdelay $0x3  }
0x69: {  	[tilespmem:v19+s16+$0x0] =	vst.idx.msk $0xffff, v18  }
0x6a: {  	v19 =	vshll.u32 v20, $0x6;
	v18 =	vld.idx.msk [tilespmem:v21+s3+$0x0], $0xffff  }
0x6b: {  	v20 =	vor.u32 s28, v3;
	v19 =	vor.u32 v16, v19  }
0x6c: {  	v21 =	vor.u32 v20, v17;
	_ =	sdelay $0x3  }
0x6d: {  	[tilespmem:v19+s16+$0x0] =	vst.idx.msk $0xffff, v18  }
0x6e: {  	v19 =	vshll.u32 v20, $0x6;
	v18 =	vld.idx.msk [tilespmem:v21+s3+$0x0], $0xffff  }
0x6f: {  	v20 =	vor.u32 s28, v4;
	v19 =	vor.u32 v16, v19  }
0x70: {  	v21 =	vor.u32 v20, v17;
	_ =	sdelay $0x3  }
0x71: {  	[tilespmem:v19+s16+$0x0] =	vst.idx.msk $0xffff, v18  }
0x72: {  	v19 =	vshll.u32 v20, $0x6;
	v18 =	vld.idx.msk [tilespmem:v21+s3+$0x0], $0xffff  }
0x73: {  	v20 =	vor.u32 s28, v5;
	v19 =	vor.u32 v16, v19  }
0x74: {  	v21 =	vor.u32 v20, v17;
	_ =	sdelay $0x3  }
0x75: {  	[tilespmem:v19+s16+$0x0] =	vst.idx.msk $0xffff, v18  }
0x76: {  	v19 =	vshll.u32 v20, $0x6;
	v18 =	vld.idx.msk [tilespmem:v21+s3+$0x0], $0xffff  }
0x77: {  	v20 =	vor.u32 s28, v7;
	v19 =	vor.u32 v16, v19  }
0x78: {  	v21 =	vor.u32 v20, v17;
	_ =	sdelay $0x3  }
0x79: {  	[tilespmem:v19+s16+$0x0] =	vst.idx.msk $0xffff, v18  }
0x7a: {  	v19 =	vshll.u32 v20, $0x6;
	v18 =	vld.idx.msk [tilespmem:v21+s3+$0x0], $0xffff  }
0x7b: {  	v20 =	vor.u32 s28, v8;
	v19 =	vor.u32 v16, v19  }
0x7c: {  	v21 =	vor.u32 v20, v17;
	_ =	sdelay $0x3  }
0x7d: {  	[tilespmem:v19+s16+$0x0] =	vst.idx.msk $0xffff, v18  }
0x7e: {  	v19 =	vshll.u32 v20, $0x6;
	v18 =	vld.idx.msk [tilespmem:v21+s3+$0x0], $0xffff  }
0x7f: {  	v20 =	vor.u32 s28, v6;
	v19 =	vor.u32 v16, v19  }
0x80: {  	v21 =	vor.u32 v20, v17;
	_ =	sdelay $0x3  }
0x81: {  	[tilespmem:v19+s16+$0x0] =	vst.idx.msk $0xffff, v18  }
0x82: {  	v19 =	vshll.u32 v20, $0x6;
	v18 =	vld.idx.msk [tilespmem:v21+s3+$0x0], $0xffff  }
0x83: {  	v20 =	vor.u32 s28, v9;
	v19 =	vor.u32 v16, v19  }
0x84: {  	v21 =	vor.u32 v20, v17;
	_ =	sdelay $0x3  }
0x85: {  	[tilespmem:v19+s16+$0x0] =	vst.idx.msk $0xffff, v18  }
0x86: {  	v19 =	vshll.u32 v20, $0x6;
	v18 =	vld.idx.msk [tilespmem:v21+s3+$0x0], $0xffff  }
0x87: {  	v20 =	vor.u32 s28, v10;
	v19 =	vor.u32 v16, v19  }
0x88: {  	v21 =	vor.u32 v20, v17;
	_ =	sdelay $0x3  }
0x89: {  	[tilespmem:v19+s16+$0x0] =	vst.idx.msk $0xffff, v18  }
0x8a: {  	v19 =	vshll.u32 v20, $0x6;
	v18 =	vld.idx.msk [tilespmem:v21+s3+$0x0], $0xffff  }
0x8b: {  	v20 =	vor.u32 s28, v11;
	v19 =	vor.u32 v16, v19  }
0x8c: {  	v21 =	vor.u32 v20, v17;
	_ =	sdelay $0x3  }
0x8d: {  	[tilespmem:v19+s16+$0x0] =	vst.idx.msk $0xffff, v18  }
0x8e: {  	v19 =	vshll.u32 v20, $0x6;
	v18 =	vld.idx.msk [tilespmem:v21+s3+$0x0], $0xffff  }
0x8f: {  	v20 =	vor.u32 s28, v12;
	v19 =	vor.u32 v16, v19  }
0x90: {  	v21 =	vor.u32 v20, v17;
	_ =	sdelay $0x3  }
0x91: {  	[tilespmem:v19+s16+$0x0] =	vst.idx.msk $0xffff, v18  }
0x92: {  	v19 =	vshll.u32 v20, $0x6;
	v18 =	vld.idx.msk [tilespmem:v21+s3+$0x0], $0xffff  }
0x93: {  	v20 =	vor.u32 s28, v13;
	v19 =	vor.u32 v16, v19  }
0x94: {  	v21 =	vor.u32 v20, v17;
	_ =	sdelay $0x3  }
0x95: {  	[tilespmem:v19+s16+$0x0] =	vst.idx.msk $0xffff, v18  }
0x96: {  	v19 =	vshll.u32 v20, $0x6;
	v18 =	vld.idx.msk [tilespmem:v21+s3+$0x0], $0xffff  }
0x97: {  	v20 =	vor.u32 s28, v14;
	v19 =	vor.u32 v16, v19  }
0x98: {  	v21 =	vor.u32 v20, v17;
	_ =	sdelay $0x3  }
0x99: {  	[tilespmem:v19+s16+$0x0] =	vst.idx.msk $0xffff, v18  }
0x9a: {  	v18 =	vshll.u32 v20, $0x6;
	v19 =	vld.idx.msk [tilespmem:v21+s3+$0x0], $0xffff  }
0x9b: {  	v20 =	vor.u32 v16, v18;
	v18 =	vor.u32 s28, v15  }
.Ltmp2:
0x9c: {  	v17 =	vor.u32 v18, v17;
	(pc) =	sbr.rel @p2 .LBB2_3-.Ltmp2, $2  }
0x9d: {  	_ =	sdelay $0x2  }
0x9e: {  	s29 =	sand.u32 $0x30, s25;
	s25 =	sadd.s32 $0x10, s25;
	s26 =	sadd.s32 $0x4, s26;
	[tilespmem:v20+s16+$0x0] =	vst.idx.msk $0xffff, v19  }
0x9f: {  	_ =	sdelay $0x2  }
0xa0: {  	s25 =	sand.u32 $0x70, s26;
	v19 =	vor.u32 s29, v0;
	v18 =	vshll.u32 v18, $0x6  }
0xa1: {  	v17 =	vld.idx.msk [tilespmem:v17+s3+$0x0], $0xffff;
	v20 =	vor.u32 s25, v0;
	v21 =	vshll.u32 v19, $0x7;
	v16 =	vor.u32 v16, v18  }
0xa2: {  	v18 =	vor.u32 v20, v21;
	_ =	sdelay $0x3  }
0xa3: {  	[tilespmem:v16+s16+$0x0] =	vst.idx.msk $0xffff, v17;
	v16 =	vshll.u32 v20, $0x6  }
0xa4: {  	v17 =	vld.idx.msk [tilespmem:v18+s3+$0x0], $0xffff;
	v16 =	vor.u32 v19, v16;
	v18 =	vor.u32 s25, v1  }
0xa5: {  	v20 =	vor.u32 v18, v21;
	_ =	sdelay $0x3  }
0xa6: {  	[tilespmem:v16+s16+$0x0] =	vst.idx.msk $0xffff, v17;
	v16 =	vshll.u32 v18, $0x6  }
0xa7: {  	v18 =	vor.u32 s25, v2;
	v17 =	vld.idx.msk [tilespmem:v20+s3+$0x0], $0xffff;
	v16 =	vor.u32 v19, v16  }
0xa8: {  	v20 =	vor.u32 v18, v21;
	_ =	sdelay $0x3  }
0xa9: {  	[tilespmem:v16+s16+$0x0] =	vst.idx.msk $0xffff, v17;
	v16 =	vshll.u32 v18, $0x6  }
0xaa: {  	v18 =	vor.u32 s25, v3;
	v17 =	vld.idx.msk [tilespmem:v20+s3+$0x0], $0xffff;
	v16 =	vor.u32 v19, v16  }
0xab: {  	v20 =	vor.u32 v18, v21;
	_ =	sdelay $0x3  }
0xac: {  	[tilespmem:v16+s16+$0x0] =	vst.idx.msk $0xffff, v17;
	v16 =	vshll.u32 v18, $0x6  }
0xad: {  	v18 =	vor.u32 s25, v4;
	v17 =	vld.idx.msk [tilespmem:v20+s3+$0x0], $0xffff;
	v16 =	vor.u32 v19, v16  }
0xae: {  	v20 =	vor.u32 v18, v21;
	_ =	sdelay $0x3  }
0xaf: {  	[tilespmem:v16+s16+$0x0] =	vst.idx.msk $0xffff, v17;
	v16 =	vshll.u32 v18, $0x6  }
0xb0: {  	v18 =	vor.u32 s25, v5;
	v17 =	vld.idx.msk [tilespmem:v20+s3+$0x0], $0xffff;
	v16 =	vor.u32 v19, v16  }
0xb1: {  	v20 =	vor.u32 v18, v21;
	_ =	sdelay $0x3  }
0xb2: {  	[tilespmem:v16+s16+$0x0] =	vst.idx.msk $0xffff, v17;
	v16 =	vshll.u32 v18, $0x6  }
0xb3: {  	v18 =	vor.u32 s25, v7;
	v17 =	vld.idx.msk [tilespmem:v20+s3+$0x0], $0xffff;
	v16 =	vor.u32 v19, v16  }
0xb4: {  	v20 =	vor.u32 v18, v21;
	_ =	sdelay $0x3  }
0xb5: {  	[tilespmem:v16+s16+$0x0] =	vst.idx.msk $0xffff, v17;
	v16 =	vshll.u32 v18, $0x6  }
0xb6: {  	v18 =	vor.u32 s25, v8;
	v17 =	vld.idx.msk [tilespmem:v20+s3+$0x0], $0xffff;
	v16 =	vor.u32 v19, v16  }
0xb7: {  	v20 =	vor.u32 v18, v21;
	_ =	sdelay $0x3  }
0xb8: {  	[tilespmem:v16+s16+$0x0] =	vst.idx.msk $0xffff, v17;
	v16 =	vshll.u32 v18, $0x6  }
0xb9: {  	v18 =	vor.u32 s25, v6;
	v17 =	vld.idx.msk [tilespmem:v20+s3+$0x0], $0xffff;
	v16 =	vor.u32 v19, v16  }
0xba: {  	v20 =	vor.u32 v18, v21;
	_ =	sdelay $0x3  }
0xbb: {  	[tilespmem:v16+s16+$0x0] =	vst.idx.msk $0xffff, v17;
	v16 =	vshll.u32 v18, $0x6  }
0xbc: {  	v18 =	vor.u32 s25, v9;
	v17 =	vld.idx.msk [tilespmem:v20+s3+$0x0], $0xffff;
	v16 =	vor.u32 v19, v16  }
0xbd: {  	v20 =	vor.u32 v18, v21;
	_ =	sdelay $0x3  }
0xbe: {  	[tilespmem:v16+s16+$0x0] =	vst.idx.msk $0xffff, v17;
	v16 =	vshll.u32 v18, $0x6  }
0xbf: {  	v18 =	vor.u32 s25, v10;
	v17 =	vld.idx.msk [tilespmem:v20+s3+$0x0], $0xffff;
	v16 =	vor.u32 v19, v16  }
0xc0: {  	v20 =	vor.u32 v18, v21;
	_ =	sdelay $0x3  }
0xc1: {  	[tilespmem:v16+s16+$0x0] =	vst.idx.msk $0xffff, v17;
	v16 =	vshll.u32 v18, $0x6  }
0xc2: {  	v18 =	vor.u32 s25, v11;
	v17 =	vld.idx.msk [tilespmem:v20+s3+$0x0], $0xffff;
	v16 =	vor.u32 v19, v16  }
0xc3: {  	v20 =	vor.u32 v18, v21;
	_ =	sdelay $0x3  }
0xc4: {  	[tilespmem:v16+s16+$0x0] =	vst.idx.msk $0xffff, v17;
	v16 =	vshll.u32 v18, $0x6  }
0xc5: {  	v18 =	vor.u32 s25, v12;
	v17 =	vld.idx.msk [tilespmem:v20+s3+$0x0], $0xffff;
	v16 =	vor.u32 v19, v16  }
0xc6: {  	v20 =	vor.u32 v18, v21;
	_ =	sdelay $0x3  }
0xc7: {  	[tilespmem:v16+s16+$0x0] =	vst.idx.msk $0xffff, v17;
	v16 =	vshll.u32 v18, $0x6  }
0xc8: {  	v18 =	vor.u32 s25, v13;
	v17 =	vld.idx.msk [tilespmem:v20+s3+$0x0], $0xffff;
	v16 =	vor.u32 v19, v16  }
0xc9: {  	v20 =	vor.u32 v18, v21;
	_ =	sdelay $0x3  }
0xca: {  	[tilespmem:v16+s16+$0x0] =	vst.idx.msk $0xffff, v17;
	v16 =	vshll.u32 v18, $0x6  }
0xcb: {  	v18 =	vor.u32 s25, v14;
	v17 =	vld.idx.msk [tilespmem:v20+s3+$0x0], $0xffff;
	v16 =	vor.u32 v19, v16  }
0xcc: {  	v20 =	vor.u32 v18, v21;
	_ =	sdelay $0x3  }
0xcd: {  	[tilespmem:v16+s16+$0x0] =	vst.idx.msk $0xffff, v17;
	v16 =	vshll.u32 v18, $0x6  }
0xce: {  	v18 =	vor.u32 s25, v15;
	v17 =	vld.idx.msk [tilespmem:v20+s3+$0x0], $0xffff;
	v16 =	vor.u32 v19, v16  }
0xcf: {  	v20 =	vor.u32 v18, v21;
	_ =	sdelay $0x3  }
0xd0: {  	[tilespmem:v16+s16+$0x0] =	vst.idx.msk $0xffff, v17;
	v16 =	vshll.u32 v18, $0x6  }
0xd1: {  	v17 =	vld.idx.msk [tilespmem:v20+s3+$0x0], $0xffff;
	v16 =	vor.u32 v19, v16;
	_ =	sdelay $0x2  }
0xd2: {  	s30 =	sshll.u32 s24, $0xA  }
0xd3: {  	p2 =	sge.u32 s23, s7;
	s31 =	simm.s32 $0x0;
	s25 =	sand.u32 $0x1FFFFC00, s30  }
0xd4: {  	s24 =	sshll.u32 @!p2 s24, $0x7;
	s26 =	simm.s32 @!p2 $0x7A1400;
	s25 =	sadd.s32 s2, s25;
	[tilespmem:v16+s16+$0x0] =	vst.idx.msk $0xffff, v17  }
0xd5: {  	[hbm4b:s25+s3] =	stream.linear.scatter [tilespmem:s16], [sflag:$0x3], $0x2000, $0x38;
	[tilespmem:$0x8000] =	vst v63  }
0xd6: {  	s28 =	simm.s32 @!p2 $0x0;
	s24 =	sadd.s32 @!p2 s24, s9;
	s25 =	simm.s32 @!p2 $0x400  }
0xd7: {  	[tilespmem:s28], [sflag:$0x1] =	stream.strided.gather @!p2 [hbm4b:s24+s25], $0x2000, s26, s25, $0x38;
	[tilespmem:$0x8000] =	vst v63  }
0xd8: {  	s25 =	sand.u32 $0x30, s31  }
0xd9: {  	s28 =	sand.u32 $0x70, s31;
	v16 =	vor.u32 s25, v0  }
0xda: {  	_ =	swait.ge [sflag:s17], $0x2000;
	v17 =	vor.u32 s28, v0;
	v19 =	vshll.u32 v16, $0x7  }
0xdb: {  	[sflag:s17] =	ssyncset.done $0x0;
	v18 =	vor.u32 v17, v19  }
0xdc: {  	s24 =	simm.s32 @!p1 $0x4;
	[sflag:s17] =	ssyncadd.s32 $0xFFFFE000  }
0xdd: {  	_ =	swait.ge @!p1 [sflag:s24], $0x2000  }
0xde: {  	[sflag:s24] =	ssyncset.done @!p1 $0x0  }
0xdf: {  	v17 =	vshll.u32 v17, $0x6;
	[sflag:s24] =	ssyncadd.s32 @!p1 $0xFFFFE000  }
0xe0: {  	v20 =	vor.u32 s28, v1;
	v17 =	vor.u32 v16, v17;
	v18 =	vld.idx.msk [tilespmem:v18+s14+$0x0], $0xffff  }
0xe1: {  	v49 =	vor.u32 v20, v19;
	_ =	sdelay $0x3  }
0xe2: {  	[tilespmem:v17+s18+$0x0] =	vst.idx.msk $0xffff, v18;
	v17 =	vshll.u32 v20, $0x6  }
0xe3: {  	v20 =	vor.u32 s28, v2;
	v18 =	vld.idx.msk [tilespmem:v49+s14+$0x0], $0xffff;
	v17 =	vor.u32 v16, v17  }
0xe4: {  	v50 =	vor.u32 v20, v19;
	_ =	sdelay $0x3  }
0xe5: {  	[tilespmem:v17+s18+$0x0] =	vst.idx.msk $0xffff, v18;
	v17 =	vshll.u32 v20, $0x6  }
0xe6: {  	v20 =	vor.u32 s28, v3;
	v18 =	vld.idx.msk [tilespmem:v50+s14+$0x0], $0xffff;
	v17 =	vor.u32 v16, v17  }
0xe7: {  	v51 =	vor.u32 v20, v19;
	_ =	sdelay $0x3  }
0xe8: {  	[tilespmem:v17+s18+$0x0] =	vst.idx.msk $0xffff, v18;
	v17 =	vshll.u32 v20, $0x6  }
0xe9: {  	v20 =	vor.u32 s28, v4;
	v18 =	vld.idx.msk [tilespmem:v51+s14+$0x0], $0xffff;
	v17 =	vor.u32 v16, v17  }
0xea: {  	v52 =	vor.u32 v20, v19;
	_ =	sdelay $0x3  }
0xeb: {  	[tilespmem:v17+s18+$0x0] =	vst.idx.msk $0xffff, v18;
	v17 =	vshll.u32 v20, $0x6  }
0xec: {  	v20 =	vor.u32 s28, v5;
	v18 =	vld.idx.msk [tilespmem:v52+s14+$0x0], $0xffff;
	v17 =	vor.u32 v16, v17  }
0xed: {  	v53 =	vor.u32 v20, v19;
	_ =	sdelay $0x3  }
0xee: {  	[tilespmem:v17+s18+$0x0] =	vst.idx.msk $0xffff, v18;
	v17 =	vshll.u32 v20, $0x6  }
0xef: {  	v20 =	vor.u32 s28, v7;
	v18 =	vld.idx.msk [tilespmem:v53+s14+$0x0], $0xffff;
	v17 =	vor.u32 v16, v17  }
0xf0: {  	v54 =	vor.u32 v20, v19;
	_ =	sdelay $0x3  }
0xf1: {  	[tilespmem:v17+s18+$0x0] =	vst.idx.msk $0xffff, v18;
	v17 =	vshll.u32 v20, $0x6  }
0xf2: {  	v20 =	vor.u32 s28, v8;
	v18 =	vld.idx.msk [tilespmem:v54+s14+$0x0], $0xffff;
	v17 =	vor.u32 v16, v17  }
0xf3: {  	v55 =	vor.u32 v20, v19;
	_ =	sdelay $0x3  }
0xf4: {  	[tilespmem:v17+s18+$0x0] =	vst.idx.msk $0xffff, v18;
	v17 =	vshll.u32 v20, $0x6  }
0xf5: {  	v20 =	vor.u32 s28, v6;
	v18 =	vld.idx.msk [tilespmem:v55+s14+$0x0], $0xffff;
	v17 =	vor.u32 v16, v17  }
0xf6: {  	v56 =	vor.u32 v20, v19;
	_ =	sdelay $0x3  }
0xf7: {  	[tilespmem:v17+s18+$0x0] =	vst.idx.msk $0xffff, v18;
	v17 =	vshll.u32 v20, $0x6  }
0xf8: {  	v20 =	vor.u32 s28, v9;
	v18 =	vld.idx.msk [tilespmem:v56+s14+$0x0], $0xffff;
	v17 =	vor.u32 v16, v17  }
0xf9: {  	v57 =	vor.u32 v20, v19;
	_ =	sdelay $0x3  }
0xfa: {  	[tilespmem:v17+s18+$0x0] =	vst.idx.msk $0xffff, v18;
	v17 =	vshll.u32 v20, $0x6  }
0xfb: {  	v20 =	vor.u32 s28, v10;
	v18 =	vld.idx.msk [tilespmem:v57+s14+$0x0], $0xffff;
	v17 =	vor.u32 v16, v17  }
0xfc: {  	v58 =	vor.u32 v20, v19;
	_ =	sdelay $0x3  }
0xfd: {  	[tilespmem:v17+s18+$0x0] =	vst.idx.msk $0xffff, v18;
	v17 =	vshll.u32 v20, $0x6  }
0xfe: {  	v20 =	vor.u32 s28, v11;
	v18 =	vld.idx.msk [tilespmem:v58+s14+$0x0], $0xffff;
	v17 =	vor.u32 v16, v17  }
0xff: {  	v59 =	vor.u32 v20, v19;
	_ =	sdelay $0x3  }
0x100: {  	[tilespmem:v17+s18+$0x0] =	vst.idx.msk $0xffff, v18;
	v17 =	vshll.u32 v20, $0x6  }
0x101: {  	v20 =	vor.u32 s28, v12;
	v18 =	vld.idx.msk [tilespmem:v59+s14+$0x0], $0xffff;
	v17 =	vor.u32 v16, v17  }
0x102: {  	v60 =	vor.u32 v20, v19;
	_ =	sdelay $0x3  }
0x103: {  	[tilespmem:v17+s18+$0x0] =	vst.idx.msk $0xffff, v18;
	v17 =	vshll.u32 v20, $0x6  }
0x104: {  	v20 =	vor.u32 s28, v13;
	v18 =	vld.idx.msk [tilespmem:v60+s14+$0x0], $0xffff;
	v17 =	vor.u32 v16, v17  }
0x105: {  	v61 =	vor.u32 v20, v19;
	_ =	sdelay $0x3  }
0x106: {  	[tilespmem:v17+s18+$0x0] =	vst.idx.msk $0xffff, v18;
	v17 =	vshll.u32 v20, $0x6  }
0x107: {  	v20 =	vor.u32 s28, v14;
	v18 =	vld.idx.msk [tilespmem:v61+s14+$0x0], $0xffff;
	v17 =	vor.u32 v16, v17  }
0x108: {  	v62 =	vor.u32 v20, v19;
	_ =	sdelay $0x3  }
0x109: {  	[tilespmem:v17+s18+$0x0] =	vst.idx.msk $0xffff, v18;
	v17 =	vshll.u32 v20, $0x6  }
0x10a: {  	v18 =	vor.u32 s28, v15;
	v20 =	vld.idx.msk [tilespmem:v62+s14+$0x0], $0xffff;
	v63 =	vor.u32 v16, v17  }
0x10b: {  	v17 =	vor.u32 v18, v19;
	_ =	sdelay $0x2  }
0x10c: {  	s30 =	sadd.s32 s23, s4;
	s31 =	simm.s32 $0x10;
	s26 =	simm.s32 $0x4  }
0x10d: {  	s29 =	sand.u32 $0x30, s31;
	s25 =	simm.s32 $0x20;
	s24 =	sadd.s32 $0x1, s30;
	[tilespmem:v63+s18+$0x0] =	vst.idx.msk $0xffff, v20  }
.LBB2_5:
0x10e: {  	p1 =	sne.s32 s25, $0x1F0;
	s28 =	sand.u32 $0x70, s26;
	v19 =	vor.u32 s29, v0;
	v20 =	vld.idx.msk [tilespmem:v17+s14+$0x0], $0xffff;
	v18 =	vshll.u32 v18, $0x6  }
0x10f: {  	v21 =	vor.u32 s28, v0;
	v17 =	vshll.u32 v19, $0x7;
	v18 =	vor.u32 v16, v18;
	v16 =	vmovc v19  }
0x110: {  	v19 =	vor.u32 v21, v17;
	_ =	sdelay $0x3  }
0x111: {  	[tilespmem:v18+s18+$0x0] =	vst.idx.msk $0xffff, v20  }
0x112: {  	v18 =	vld.idx.msk [tilespmem:v19+s14+$0x0], $0xffff;
	v19 =	vshll.u32 v21, $0x6  }
0x113: {  	v20 =	vor.u32 s28, v1;
	v19 =	vor.u32 v16, v19  }
0x114: {  	v21 =	vor.u32 v20, v17;
	_ =	sdelay $0x3  }
0x115: {  	[tilespmem:v19+s18+$0x0] =	vst.idx.msk $0xffff, v18  }
0x116: {  	v19 =	vshll.u32 v20, $0x6;
	v18 =	vld.idx.msk [tilespmem:v21+s14+$0x0], $0xffff  }
0x117: {  	v20 =	vor.u32 s28, v2;
	v19 =	vor.u32 v16, v19  }
0x118: {  	v21 =	vor.u32 v20, v17;
	_ =	sdelay $0x3  }
0x119: {  	[tilespmem:v19+s18+$0x0] =	vst.idx.msk $0xffff, v18  }
0x11a: {  	v19 =	vshll.u32 v20, $0x6;
	v18 =	vld.idx.msk [tilespmem:v21+s14+$0x0], $0xffff  }
0x11b: {  	v20 =	vor.u32 s28, v3;
	v19 =	vor.u32 v16, v19  }
0x11c: {  	v21 =	vor.u32 v20, v17;
	_ =	sdelay $0x3  }
0x11d: {  	[tilespmem:v19+s18+$0x0] =	vst.idx.msk $0xffff, v18  }
0x11e: {  	v19 =	vshll.u32 v20, $0x6;
	v18 =	vld.idx.msk [tilespmem:v21+s14+$0x0], $0xffff  }
0x11f: {  	v20 =	vor.u32 s28, v4;
	v19 =	vor.u32 v16, v19  }
0x120: {  	v21 =	vor.u32 v20, v17;
	_ =	sdelay $0x3  }
0x121: {  	[tilespmem:v19+s18+$0x0] =	vst.idx.msk $0xffff, v18  }
0x122: {  	v19 =	vshll.u32 v20, $0x6;
	v18 =	vld.idx.msk [tilespmem:v21+s14+$0x0], $0xffff  }
0x123: {  	v20 =	vor.u32 s28, v5;
	v19 =	vor.u32 v16, v19  }
0x124: {  	v21 =	vor.u32 v20, v17;
	_ =	sdelay $0x3  }
0x125: {  	[tilespmem:v19+s18+$0x0] =	vst.idx.msk $0xffff, v18  }
0x126: {  	v19 =	vshll.u32 v20, $0x6;
	v18 =	vld.idx.msk [tilespmem:v21+s14+$0x0], $0xffff  }
0x127: {  	v20 =	vor.u32 s28, v7;
	v19 =	vor.u32 v16, v19  }
0x128: {  	v21 =	vor.u32 v20, v17;
	_ =	sdelay $0x3  }
0x129: {  	[tilespmem:v19+s18+$0x0] =	vst.idx.msk $0xffff, v18  }
0x12a: {  	v19 =	vshll.u32 v20, $0x6;
	v18 =	vld.idx.msk [tilespmem:v21+s14+$0x0], $0xffff  }
0x12b: {  	v20 =	vor.u32 s28, v8;
	v19 =	vor.u32 v16, v19  }
0x12c: {  	v21 =	vor.u32 v20, v17;
	_ =	sdelay $0x3  }
0x12d: {  	[tilespmem:v19+s18+$0x0] =	vst.idx.msk $0xffff, v18  }
0x12e: {  	v19 =	vshll.u32 v20, $0x6;
	v18 =	vld.idx.msk [tilespmem:v21+s14+$0x0], $0xffff  }
0x12f: {  	v20 =	vor.u32 s28, v6;
	v19 =	vor.u32 v16, v19  }
0x130: {  	v21 =	vor.u32 v20, v17;
	_ =	sdelay $0x3  }
0x131: {  	[tilespmem:v19+s18+$0x0] =	vst.idx.msk $0xffff, v18  }
0x132: {  	v19 =	vshll.u32 v20, $0x6;
	v18 =	vld.idx.msk [tilespmem:v21+s14+$0x0], $0xffff  }
0x133: {  	v20 =	vor.u32 s28, v9;
	v19 =	vor.u32 v16, v19  }
0x134: {  	v21 =	vor.u32 v20, v17;
	_ =	sdelay $0x3  }
0x135: {  	[tilespmem:v19+s18+$0x0] =	vst.idx.msk $0xffff, v18  }
0x136: {  	v19 =	vshll.u32 v20, $0x6;
	v18 =	vld.idx.msk [tilespmem:v21+s14+$0x0], $0xffff  }
0x137: {  	v20 =	vor.u32 s28, v10;
	v19 =	vor.u32 v16, v19  }
0x138: {  	v21 =	vor.u32 v20, v17;
	_ =	sdelay $0x3  }
0x139: {  	[tilespmem:v19+s18+$0x0] =	vst.idx.msk $0xffff, v18  }
0x13a: {  	v19 =	vshll.u32 v20, $0x6;
	v18 =	vld.idx.msk [tilespmem:v21+s14+$0x0], $0xffff  }
0x13b: {  	v20 =	vor.u32 s28, v11;
	v19 =	vor.u32 v16, v19  }
0x13c: {  	v21 =	vor.u32 v20, v17;
	_ =	sdelay $0x3  }
0x13d: {  	[tilespmem:v19+s18+$0x0] =	vst.idx.msk $0xffff, v18  }
0x13e: {  	v19 =	vshll.u32 v20, $0x6;
	v18 =	vld.idx.msk [tilespmem:v21+s14+$0x0], $0xffff  }
0x13f: {  	v20 =	vor.u32 s28, v12;
	v19 =	vor.u32 v16, v19  }
0x140: {  	v21 =	vor.u32 v20, v17;
	_ =	sdelay $0x3  }
0x141: {  	[tilespmem:v19+s18+$0x0] =	vst.idx.msk $0xffff, v18  }
0x142: {  	v19 =	vshll.u32 v20, $0x6;
	v18 =	vld.idx.msk [tilespmem:v21+s14+$0x0], $0xffff  }
0x143: {  	v20 =	vor.u32 s28, v13;
	v19 =	vor.u32 v16, v19  }
0x144: {  	v21 =	vor.u32 v20, v17;
	_ =	sdelay $0x3  }
0x145: {  	[tilespmem:v19+s18+$0x0] =	vst.idx.msk $0xffff, v18  }
0x146: {  	v19 =	vshll.u32 v20, $0x6;
	v18 =	vld.idx.msk [tilespmem:v21+s14+$0x0], $0xffff  }
0x147: {  	v20 =	vor.u32 s28, v14;
	v19 =	vor.u32 v16, v19  }
0x148: {  	v21 =	vor.u32 v20, v17;
	_ =	sdelay $0x3  }
0x149: {  	[tilespmem:v19+s18+$0x0] =	vst.idx.msk $0xffff, v18  }
0x14a: {  	v18 =	vshll.u32 v20, $0x6;
	v19 =	vld.idx.msk [tilespmem:v21+s14+$0x0], $0xffff  }
0x14b: {  	v20 =	vor.u32 v16, v18;
	v18 =	vor.u32 s28, v15  }
.Ltmp3:
0x14c: {  	v17 =	vor.u32 v18, v17;
	(pc) =	sbr.rel @p1 .LBB2_5-.Ltmp3, $2  }
0x14d: {  	_ =	sdelay $0x2  }
0x14e: {  	s29 =	sand.u32 $0x30, s25;
	s25 =	sadd.s32 $0x10, s25;
	s26 =	sadd.s32 $0x4, s26;
	[tilespmem:v20+s18+$0x0] =	vst.idx.msk $0xffff, v19  }
0x14f: {  	_ =	sdelay $0x2  }
0x150: {  	s25 =	sand.u32 $0x70, s26;
	v19 =	vor.u32 s29, v0;
	v18 =	vshll.u32 v18, $0x6  }
0x151: {  	v17 =	vld.idx.msk [tilespmem:v17+s14+$0x0], $0xffff;
	v20 =	vor.u32 s25, v0;
	v21 =	vshll.u32 v19, $0x7;
	v16 =	vor.u32 v16, v18  }
0x152: {  	v33 =	vor.u32 v20, v21;
	_ =	sdelay $0x3  }
0x153: {  	[tilespmem:v16+s18+$0x0] =	vst.idx.msk $0xffff, v17;
	v16 =	vshll.u32 v20, $0x6  }
0x154: {  	v34 =	vor.u32 s25, v1;
	v17 =	vld.idx.msk [tilespmem:v33+s14+$0x0], $0xffff;
	v16 =	vor.u32 v19, v16  }
0x155: {  	v35 =	vor.u32 v34, v21;
	_ =	sdelay $0x3  }
0x156: {  	[tilespmem:v16+s18+$0x0] =	vst.idx.msk $0xffff, v17;
	v16 =	vshll.u32 v34, $0x6  }
0x157: {  	v36 =	vor.u32 s25, v2;
	v17 =	vld.idx.msk [tilespmem:v35+s14+$0x0], $0xffff;
	v16 =	vor.u32 v19, v16  }
0x158: {  	v37 =	vor.u32 v36, v21;
	_ =	sdelay $0x3  }
0x159: {  	[tilespmem:v16+s18+$0x0] =	vst.idx.msk $0xffff, v17;
	v16 =	vshll.u32 v36, $0x6  }
0x15a: {  	v38 =	vor.u32 s25, v3;
	v17 =	vld.idx.msk [tilespmem:v37+s14+$0x0], $0xffff;
	v16 =	vor.u32 v19, v16  }
0x15b: {  	v39 =	vor.u32 v38, v21;
	_ =	sdelay $0x3  }
0x15c: {  	[tilespmem:v16+s18+$0x0] =	vst.idx.msk $0xffff, v17;
	v16 =	vshll.u32 v38, $0x6  }
0x15d: {  	v40 =	vor.u32 s25, v4;
	v17 =	vld.idx.msk [tilespmem:v39+s14+$0x0], $0xffff;
	v16 =	vor.u32 v19, v16  }
0x15e: {  	v41 =	vor.u32 v40, v21;
	_ =	sdelay $0x3  }
0x15f: {  	[tilespmem:v16+s18+$0x0] =	vst.idx.msk $0xffff, v17;
	v16 =	vshll.u32 v40, $0x6  }
0x160: {  	v42 =	vor.u32 s25, v5;
	v17 =	vld.idx.msk [tilespmem:v41+s14+$0x0], $0xffff;
	v16 =	vor.u32 v19, v16  }
0x161: {  	v43 =	vor.u32 v42, v21;
	_ =	sdelay $0x3  }
0x162: {  	[tilespmem:v16+s18+$0x0] =	vst.idx.msk $0xffff, v17;
	v16 =	vshll.u32 v42, $0x6  }
0x163: {  	v44 =	vor.u32 s25, v7;
	v17 =	vld.idx.msk [tilespmem:v43+s14+$0x0], $0xffff;
	v16 =	vor.u32 v19, v16  }
0x164: {  	v45 =	vor.u32 v44, v21;
	_ =	sdelay $0x3  }
0x165: {  	[tilespmem:v16+s18+$0x0] =	vst.idx.msk $0xffff, v17;
	v16 =	vshll.u32 v44, $0x6  }
0x166: {  	v46 =	vor.u32 s25, v8;
	v17 =	vld.idx.msk [tilespmem:v45+s14+$0x0], $0xffff;
	v16 =	vor.u32 v19, v16  }
0x167: {  	v47 =	vor.u32 v46, v21;
	_ =	sdelay $0x3  }
0x168: {  	[tilespmem:v16+s18+$0x0] =	vst.idx.msk $0xffff, v17;
	v16 =	vshll.u32 v46, $0x6  }
0x169: {  	v48 =	vor.u32 s25, v6;
	v17 =	vld.idx.msk [tilespmem:v47+s14+$0x0], $0xffff;
	v16 =	vor.u32 v19, v16  }
0x16a: {  	v49 =	vor.u32 v48, v21;
	_ =	sdelay $0x3  }
0x16b: {  	[tilespmem:v16+s18+$0x0] =	vst.idx.msk $0xffff, v17;
	v16 =	vshll.u32 v48, $0x6  }
0x16c: {  	v50 =	vor.u32 s25, v9;
	v17 =	vld.idx.msk [tilespmem:v49+s14+$0x0], $0xffff;
	v16 =	vor.u32 v19, v16  }
0x16d: {  	v51 =	vor.u32 v50, v21;
	_ =	sdelay $0x3  }
0x16e: {  	[tilespmem:v16+s18+$0x0] =	vst.idx.msk $0xffff, v17;
	v16 =	vshll.u32 v50, $0x6  }
0x16f: {  	v52 =	vor.u32 s25, v10;
	v17 =	vld.idx.msk [tilespmem:v51+s14+$0x0], $0xffff;
	v16 =	vor.u32 v19, v16  }
0x170: {  	v53 =	vor.u32 v52, v21;
	_ =	sdelay $0x3  }
0x171: {  	[tilespmem:v16+s18+$0x0] =	vst.idx.msk $0xffff, v17;
	v16 =	vshll.u32 v52, $0x6  }
0x172: {  	v54 =	vor.u32 s25, v11;
	v17 =	vld.idx.msk [tilespmem:v53+s14+$0x0], $0xffff;
	v16 =	vor.u32 v19, v16  }
0x173: {  	v55 =	vor.u32 v54, v21;
	_ =	sdelay $0x3  }
0x174: {  	[tilespmem:v16+s18+$0x0] =	vst.idx.msk $0xffff, v17;
	v16 =	vshll.u32 v54, $0x6  }
0x175: {  	v56 =	vor.u32 s25, v12;
	v17 =	vld.idx.msk [tilespmem:v55+s14+$0x0], $0xffff;
	v16 =	vor.u32 v19, v16  }
0x176: {  	v57 =	vor.u32 v56, v21;
	_ =	sdelay $0x3  }
0x177: {  	[tilespmem:v16+s18+$0x0] =	vst.idx.msk $0xffff, v17;
	v16 =	vshll.u32 v56, $0x6  }
0x178: {  	v58 =	vor.u32 s25, v13;
	v17 =	vld.idx.msk [tilespmem:v57+s14+$0x0], $0xffff;
	v16 =	vor.u32 v19, v16  }
0x179: {  	v59 =	vor.u32 v58, v21;
	_ =	sdelay $0x3  }
0x17a: {  	[tilespmem:v16+s18+$0x0] =	vst.idx.msk $0xffff, v17;
	v16 =	vshll.u32 v58, $0x6  }
0x17b: {  	v60 =	vor.u32 s25, v14;
	v17 =	vld.idx.msk [tilespmem:v59+s14+$0x0], $0xffff;
	v16 =	vor.u32 v19, v16  }
0x17c: {  	v61 =	vor.u32 v60, v21;
	_ =	sdelay $0x3  }
0x17d: {  	[tilespmem:v16+s18+$0x0] =	vst.idx.msk $0xffff, v17;
	v16 =	vshll.u32 v60, $0x6  }
0x17e: {  	v62 =	vor.u32 s25, v15;
	v17 =	vld.idx.msk [tilespmem:v61+s14+$0x0], $0xffff;
	v16 =	vor.u32 v19, v16  }
0x17f: {  	v63 =	vor.u32 v62, v21;
	_ =	sdelay $0x3  }
0x180: {  	[tilespmem:v16+s18+$0x0] =	vst.idx.msk $0xffff, v17;
	v16 =	vshll.u32 v62, $0x6  }
0x181: {  	v17 =	vld.idx.msk [tilespmem:v63+s14+$0x0], $0xffff;
	v16 =	vor.u32 v19, v16;
	_ =	sdelay $0x2  }
0x182: {  	s31 =	sshll.u32 s24, $0xA  }
0x183: {  	p1 =	sge.u32 s23, s8;
	s22 =	sadd.s32 $0x1, s22;
	s25 =	sand.u32 $0x1FFFFC00, s31  }
0x184: {  	s23 =	sshll.u32 @!p1 s24, $0x7;
	s24 =	simm.s32 @!p1 $0x400;
	s25 =	sadd.s32 s2, s25;
	[tilespmem:v16+s18+$0x0] =	vst.idx.msk $0xffff, v17  }
0x185: {  	[hbm4b:s25+s3] =	stream.linear.scatter [tilespmem:s18], [sflag:$0x4], $0x2000, $0x38;
	[tilespmem:$0x8000] =	vst v63  }
0x186: {  	s26 =	simm.s32 @!p1 $0x2000;
	s23 =	sadd.s32 @!p1 s23, s9;
	s25 =	simm.s32 @!p1 $0x7A1400  }
0x187: {  	[tilespmem:s26], [sflag:$0x2] =	stream.strided.gather @!p1 [hbm4b:s23+s24], $0x2000, s25, s24, $0x38;
	[tilespmem:$0x8000] =	vst v63  }
0x188: {  	p1 =	sne.s32 s22, $0x7A  }
.Ltmp4:
0x189: {  	_ = 	snop;
	(pc) =	sbr.rel @p1 .LBB2_2-.Ltmp4, $1  }
0x18a: {  	_ =	sdelay $0x3  }
.Ltmp5:
0x18b: {  	(pc) =	sbr.rel @p0 .LBB2_11-.Ltmp5, $1  }
0x18c: {  	_ =	sdelay $0x3  }
0x18d: {  	s22 =	simm.s32 $0x0  }
0x18e: {  	s23 =	sand.u32 $0x30, s22  }
0x18f: {  	s22 =	sand.u32 $0x70, s22;
	v16 =	vor.u32 s23, v0  }
0x190: {  	_ =	swait.ge [sflag:s15], $0x2000;
	v17 =	vor.u32 s22, v0;
	v19 =	vshll.u32 v16, $0x7  }
0x191: {  	[sflag:s15] =	ssyncset.done $0x0;
	v18 =	vor.u32 v17, v19  }
0x192: {  	[sflag:s15] =	ssyncadd.s32 $0xFFFFE000  }
0x193: {  	_ =	swait.ge [sflag:s19], $0x2000  }
0x194: {  	[sflag:s19] =	ssyncset.done $0x0  }
0x195: {  	v17 =	vshll.u32 v17, $0x6;
	[sflag:s19] =	ssyncadd.s32 $0xFFFFE000  }
0x196: {  	v20 =	vor.u32 s22, v1;
	v17 =	vor.u32 v16, v17;
	v18 =	vld.idx.msk [tilespmem:v18+s3+$0x0], $0xffff  }
0x197: {  	v21 =	vor.u32 v20, v19;
	_ =	sdelay $0x3  }
0x198: {  	[tilespmem:v17+s16+$0x0] =	vst.idx.msk $0xffff, v18;
	v17 =	vshll.u32 v20, $0x6  }
0x199: {  	v20 =	vor.u32 s22, v2;
	v18 =	vld.idx.msk [tilespmem:v21+s3+$0x0], $0xffff;
	v17 =	vor.u32 v16, v17  }
0x19a: {  	v50 =	vor.u32 v20, v19;
	_ =	sdelay $0x3  }
0x19b: {  	[tilespmem:v17+s16+$0x0] =	vst.idx.msk $0xffff, v18;
	v17 =	vshll.u32 v20, $0x6  }
0x19c: {  	v20 =	vor.u32 s22, v3;
	v18 =	vld.idx.msk [tilespmem:v50+s3+$0x0], $0xffff;
	v17 =	vor.u32 v16, v17  }
0x19d: {  	v51 =	vor.u32 v20, v19;
	_ =	sdelay $0x3  }
0x19e: {  	[tilespmem:v17+s16+$0x0] =	vst.idx.msk $0xffff, v18;
	v17 =	vshll.u32 v20, $0x6  }
0x19f: {  	v20 =	vor.u32 s22, v4;
	v18 =	vld.idx.msk [tilespmem:v51+s3+$0x0], $0xffff;
	v17 =	vor.u32 v16, v17  }
0x1a0: {  	v52 =	vor.u32 v20, v19;
	_ =	sdelay $0x3  }
0x1a1: {  	[tilespmem:v17+s16+$0x0] =	vst.idx.msk $0xffff, v18;
	v17 =	vshll.u32 v20, $0x6  }
0x1a2: {  	v20 =	vor.u32 s22, v5;
	v18 =	vld.idx.msk [tilespmem:v52+s3+$0x0], $0xffff;
	v17 =	vor.u32 v16, v17  }
0x1a3: {  	v53 =	vor.u32 v20, v19;
	_ =	sdelay $0x3  }
0x1a4: {  	[tilespmem:v17+s16+$0x0] =	vst.idx.msk $0xffff, v18;
	v17 =	vshll.u32 v20, $0x6  }
0x1a5: {  	v20 =	vor.u32 s22, v7;
	v18 =	vld.idx.msk [tilespmem:v53+s3+$0x0], $0xffff;
	v17 =	vor.u32 v16, v17  }
0x1a6: {  	v54 =	vor.u32 v20, v19;
	_ =	sdelay $0x3  }
0x1a7: {  	[tilespmem:v17+s16+$0x0] =	vst.idx.msk $0xffff, v18;
	v17 =	vshll.u32 v20, $0x6  }
0x1a8: {  	v20 =	vor.u32 s22, v8;
	v18 =	vld.idx.msk [tilespmem:v54+s3+$0x0], $0xffff;
	v17 =	vor.u32 v16, v17  }
0x1a9: {  	v55 =	vor.u32 v20, v19;
	_ =	sdelay $0x3  }
0x1aa: {  	[tilespmem:v17+s16+$0x0] =	vst.idx.msk $0xffff, v18;
	v17 =	vshll.u32 v20, $0x6  }
0x1ab: {  	v20 =	vor.u32 s22, v6;
	v18 =	vld.idx.msk [tilespmem:v55+s3+$0x0], $0xffff;
	v17 =	vor.u32 v16, v17  }
0x1ac: {  	v56 =	vor.u32 v20, v19;
	_ =	sdelay $0x3  }
0x1ad: {  	[tilespmem:v17+s16+$0x0] =	vst.idx.msk $0xffff, v18;
	v17 =	vshll.u32 v20, $0x6  }
0x1ae: {  	v20 =	vor.u32 s22, v9;
	v18 =	vld.idx.msk [tilespmem:v56+s3+$0x0], $0xffff;
	v17 =	vor.u32 v16, v17  }
0x1af: {  	v57 =	vor.u32 v20, v19;
	_ =	sdelay $0x3  }
0x1b0: {  	[tilespmem:v17+s16+$0x0] =	vst.idx.msk $0xffff, v18;
	v17 =	vshll.u32 v20, $0x6  }
0x1b1: {  	v20 =	vor.u32 s22, v10;
	v18 =	vld.idx.msk [tilespmem:v57+s3+$0x0], $0xffff;
	v17 =	vor.u32 v16, v17  }
0x1b2: {  	v58 =	vor.u32 v20, v19;
	_ =	sdelay $0x3  }
0x1b3: {  	[tilespmem:v17+s16+$0x0] =	vst.idx.msk $0xffff, v18;
	v17 =	vshll.u32 v20, $0x6  }
0x1b4: {  	v20 =	vor.u32 s22, v11;
	v18 =	vld.idx.msk [tilespmem:v58+s3+$0x0], $0xffff;
	v17 =	vor.u32 v16, v17  }
0x1b5: {  	v59 =	vor.u32 v20, v19;
	_ =	sdelay $0x3  }
0x1b6: {  	[tilespmem:v17+s16+$0x0] =	vst.idx.msk $0xffff, v18;
	v17 =	vshll.u32 v20, $0x6  }
0x1b7: {  	v20 =	vor.u32 s22, v12;
	v18 =	vld.idx.msk [tilespmem:v59+s3+$0x0], $0xffff;
	v17 =	vor.u32 v16, v17  }
0x1b8: {  	v60 =	vor.u32 v20, v19;
	_ =	sdelay $0x3  }
0x1b9: {  	[tilespmem:v17+s16+$0x0] =	vst.idx.msk $0xffff, v18;
	v17 =	vshll.u32 v20, $0x6  }
0x1ba: {  	v20 =	vor.u32 s22, v13;
	v18 =	vld.idx.msk [tilespmem:v60+s3+$0x0], $0xffff;
	v17 =	vor.u32 v16, v17  }
0x1bb: {  	v61 =	vor.u32 v20, v19;
	_ =	sdelay $0x3  }
0x1bc: {  	[tilespmem:v17+s16+$0x0] =	vst.idx.msk $0xffff, v18;
	v17 =	vshll.u32 v20, $0x6  }
0x1bd: {  	v20 =	vor.u32 s22, v14;
	v18 =	vld.idx.msk [tilespmem:v61+s3+$0x0], $0xffff;
	v17 =	vor.u32 v16, v17  }
0x1be: {  	v62 =	vor.u32 v20, v19;
	_ =	sdelay $0x3  }
0x1bf: {  	[tilespmem:v17+s16+$0x0] =	vst.idx.msk $0xffff, v18;
	v17 =	vshll.u32 v20, $0x6  }
0x1c0: {  	v18 =	vor.u32 s22, v15;
	v20 =	vld.idx.msk [tilespmem:v62+s3+$0x0], $0xffff;
	v63 =	vor.u32 v16, v17  }
0x1c1: {  	v17 =	vor.u32 v18, v19;
	_ =	sdelay $0x2  }
0x1c2: {  	s31 =	simm.s32 $0x10  }
0x1c3: {  	s25 =	sand.u32 $0x30, s31;
	s23 =	simm.s32 $0x4;
	s22 =	simm.s32 $0x20;
	[tilespmem:v63+s16+$0x0] =	vst.idx.msk $0xffff, v20  }
.LBB2_9:
0x1c4: {  	p1 =	sne.s32 s22, $0x1F0;
	s24 =	sand.u32 $0x70, s23;
	v19 =	vor.u32 s25, v0;
	v20 =	vld.idx.msk [tilespmem:v17+s3+$0x0], $0xffff;
	v18 =	vshll.u32 v18, $0x6  }
0x1c5: {  	v21 =	vor.u32 s24, v0;
	v17 =	vshll.u32 v19, $0x7;
	v18 =	vor.u32 v16, v18;
	v16 =	vmovc v19  }
0x1c6: {  	v19 =	vor.u32 v21, v17;
	_ =	sdelay $0x3  }
0x1c7: {  	[tilespmem:v18+s16+$0x0] =	vst.idx.msk $0xffff, v20  }
0x1c8: {  	v18 =	vld.idx.msk [tilespmem:v19+s3+$0x0], $0xffff;
	v19 =	vshll.u32 v21, $0x6  }
0x1c9: {  	v20 =	vor.u32 s24, v1;
	v19 =	vor.u32 v16, v19  }
0x1ca: {  	v21 =	vor.u32 v20, v17;
	_ =	sdelay $0x3  }
0x1cb: {  	[tilespmem:v19+s16+$0x0] =	vst.idx.msk $0xffff, v18  }
0x1cc: {  	v19 =	vshll.u32 v20, $0x6;
	v18 =	vld.idx.msk [tilespmem:v21+s3+$0x0], $0xffff  }
0x1cd: {  	v20 =	vor.u32 s24, v2;
	v19 =	vor.u32 v16, v19  }
0x1ce: {  	v21 =	vor.u32 v20, v17;
	_ =	sdelay $0x3  }
0x1cf: {  	[tilespmem:v19+s16+$0x0] =	vst.idx.msk $0xffff, v18  }
0x1d0: {  	v19 =	vshll.u32 v20, $0x6;
	v18 =	vld.idx.msk [tilespmem:v21+s3+$0x0], $0xffff  }
0x1d1: {  	v20 =	vor.u32 s24, v3;
	v19 =	vor.u32 v16, v19  }
0x1d2: {  	v21 =	vor.u32 v20, v17;
	_ =	sdelay $0x3  }
0x1d3: {  	[tilespmem:v19+s16+$0x0] =	vst.idx.msk $0xffff, v18  }
0x1d4: {  	v19 =	vshll.u32 v20, $0x6;
	v18 =	vld.idx.msk [tilespmem:v21+s3+$0x0], $0xffff  }
0x1d5: {  	v20 =	vor.u32 s24, v4;
	v19 =	vor.u32 v16, v19  }
0x1d6: {  	v21 =	vor.u32 v20, v17;
	_ =	sdelay $0x3  }
0x1d7: {  	[tilespmem:v19+s16+$0x0] =	vst.idx.msk $0xffff, v18  }
0x1d8: {  	v19 =	vshll.u32 v20, $0x6;
	v18 =	vld.idx.msk [tilespmem:v21+s3+$0x0], $0xffff  }
0x1d9: {  	v20 =	vor.u32 s24, v5;
	v19 =	vor.u32 v16, v19  }
0x1da: {  	v21 =	vor.u32 v20, v17;
	_ =	sdelay $0x3  }
0x1db: {  	[tilespmem:v19+s16+$0x0] =	vst.idx.msk $0xffff, v18  }
0x1dc: {  	v19 =	vshll.u32 v20, $0x6;
	v18 =	vld.idx.msk [tilespmem:v21+s3+$0x0], $0xffff  }
0x1dd: {  	v20 =	vor.u32 s24, v7;
	v19 =	vor.u32 v16, v19  }
0x1de: {  	v21 =	vor.u32 v20, v17;
	_ =	sdelay $0x3  }
0x1df: {  	[tilespmem:v19+s16+$0x0] =	vst.idx.msk $0xffff, v18  }
0x1e0: {  	v19 =	vshll.u32 v20, $0x6;
	v18 =	vld.idx.msk [tilespmem:v21+s3+$0x0], $0xffff  }
0x1e1: {  	v20 =	vor.u32 s24, v8;
	v19 =	vor.u32 v16, v19  }
0x1e2: {  	v21 =	vor.u32 v20, v17;
	_ =	sdelay $0x3  }
0x1e3: {  	[tilespmem:v19+s16+$0x0] =	vst.idx.msk $0xffff, v18  }
0x1e4: {  	v19 =	vshll.u32 v20, $0x6;
	v18 =	vld.idx.msk [tilespmem:v21+s3+$0x0], $0xffff  }
0x1e5: {  	v20 =	vor.u32 s24, v6;
	v19 =	vor.u32 v16, v19  }
0x1e6: {  	v21 =	vor.u32 v20, v17;
	_ =	sdelay $0x3  }
0x1e7: {  	[tilespmem:v19+s16+$0x0] =	vst.idx.msk $0xffff, v18  }
0x1e8: {  	v19 =	vshll.u32 v20, $0x6;
	v18 =	vld.idx.msk [tilespmem:v21+s3+$0x0], $0xffff  }
0x1e9: {  	v20 =	vor.u32 s24, v9;
	v19 =	vor.u32 v16, v19  }
0x1ea: {  	v21 =	vor.u32 v20, v17;
	_ =	sdelay $0x3  }
0x1eb: {  	[tilespmem:v19+s16+$0x0] =	vst.idx.msk $0xffff, v18  }
0x1ec: {  	v19 =	vshll.u32 v20, $0x6;
	v18 =	vld.idx.msk [tilespmem:v21+s3+$0x0], $0xffff  }
0x1ed: {  	v20 =	vor.u32 s24, v10;
	v19 =	vor.u32 v16, v19  }
0x1ee: {  	v21 =	vor.u32 v20, v17;
	_ =	sdelay $0x3  }
0x1ef: {  	[tilespmem:v19+s16+$0x0] =	vst.idx.msk $0xffff, v18  }
0x1f0: {  	v19 =	vshll.u32 v20, $0x6;
	v18 =	vld.idx.msk [tilespmem:v21+s3+$0x0], $0xffff  }
0x1f1: {  	v20 =	vor.u32 s24, v11;
	v19 =	vor.u32 v16, v19  }
0x1f2: {  	v21 =	vor.u32 v20, v17;
	_ =	sdelay $0x3  }
0x1f3: {  	[tilespmem:v19+s16+$0x0] =	vst.idx.msk $0xffff, v18  }
0x1f4: {  	v19 =	vshll.u32 v20, $0x6;
	v18 =	vld.idx.msk [tilespmem:v21+s3+$0x0], $0xffff  }
0x1f5: {  	v20 =	vor.u32 s24, v12;
	v19 =	vor.u32 v16, v19  }
0x1f6: {  	v21 =	vor.u32 v20, v17;
	_ =	sdelay $0x3  }
0x1f7: {  	[tilespmem:v19+s16+$0x0] =	vst.idx.msk $0xffff, v18  }
0x1f8: {  	v19 =	vshll.u32 v20, $0x6;
	v18 =	vld.idx.msk [tilespmem:v21+s3+$0x0], $0xffff  }
0x1f9: {  	v20 =	vor.u32 s24, v13;
	v19 =	vor.u32 v16, v19  }
0x1fa: {  	v21 =	vor.u32 v20, v17;
	_ =	sdelay $0x3  }
0x1fb: {  	[tilespmem:v19+s16+$0x0] =	vst.idx.msk $0xffff, v18  }
0x1fc: {  	v19 =	vshll.u32 v20, $0x6;
	v18 =	vld.idx.msk [tilespmem:v21+s3+$0x0], $0xffff  }
0x1fd: {  	v20 =	vor.u32 s24, v14;
	v19 =	vor.u32 v16, v19  }
0x1fe: {  	v21 =	vor.u32 v20, v17;
	_ =	sdelay $0x3  }
0x1ff: {  	[tilespmem:v19+s16+$0x0] =	vst.idx.msk $0xffff, v18  }
0x200: {  	v18 =	vshll.u32 v20, $0x6;
	v19 =	vld.idx.msk [tilespmem:v21+s3+$0x0], $0xffff  }
0x201: {  	v20 =	vor.u32 v16, v18;
	v18 =	vor.u32 s24, v15  }
.Ltmp6:
0x202: {  	v17 =	vor.u32 v18, v17;
	(pc) =	sbr.rel @p1 .LBB2_9-.Ltmp6, $2  }
0x203: {  	_ =	sdelay $0x2  }
0x204: {  	s25 =	sand.u32 $0x30, s22;
	s22 =	sadd.s32 $0x10, s22;
	s23 =	sadd.s32 $0x4, s23;
	[tilespmem:v20+s16+$0x0] =	vst.idx.msk $0xffff, v19  }
0x205: {  	_ =	sdelay $0x2  }
0x206: {  	s22 =	sand.u32 $0x70, s23;
	v19 =	vor.u32 s25, v0;
	v18 =	vshll.u32 v18, $0x6  }
0x207: {  	v17 =	vld.idx.msk [tilespmem:v17+s3+$0x0], $0xffff;
	v20 =	vor.u32 s22, v0;
	v21 =	vshll.u32 v19, $0x7;
	v16 =	vor.u32 v16, v18  }
0x208: {  	v33 =	vor.u32 v20, v21;
	_ =	sdelay $0x3  }
0x209: {  	[tilespmem:v16+s16+$0x0] =	vst.idx.msk $0xffff, v17;
	v16 =	vshll.u32 v20, $0x6  }
0x20a: {  	v34 =	vor.u32 s22, v1;
	v17 =	vld.idx.msk [tilespmem:v33+s3+$0x0], $0xffff;
	v16 =	vor.u32 v19, v16  }
0x20b: {  	v35 =	vor.u32 v34, v21;
	_ =	sdelay $0x3  }
0x20c: {  	[tilespmem:v16+s16+$0x0] =	vst.idx.msk $0xffff, v17;
	v16 =	vshll.u32 v34, $0x6  }
0x20d: {  	v36 =	vor.u32 s22, v2;
	v17 =	vld.idx.msk [tilespmem:v35+s3+$0x0], $0xffff;
	v16 =	vor.u32 v19, v16  }
0x20e: {  	v37 =	vor.u32 v36, v21;
	_ =	sdelay $0x3  }
0x20f: {  	[tilespmem:v16+s16+$0x0] =	vst.idx.msk $0xffff, v17;
	v16 =	vshll.u32 v36, $0x6  }
0x210: {  	v38 =	vor.u32 s22, v3;
	v17 =	vld.idx.msk [tilespmem:v37+s3+$0x0], $0xffff;
	v16 =	vor.u32 v19, v16  }
0x211: {  	v39 =	vor.u32 v38, v21;
	_ =	sdelay $0x3  }
0x212: {  	[tilespmem:v16+s16+$0x0] =	vst.idx.msk $0xffff, v17;
	v16 =	vshll.u32 v38, $0x6  }
0x213: {  	v40 =	vor.u32 s22, v4;
	v17 =	vld.idx.msk [tilespmem:v39+s3+$0x0], $0xffff;
	v16 =	vor.u32 v19, v16  }
0x214: {  	v41 =	vor.u32 v40, v21;
	_ =	sdelay $0x3  }
0x215: {  	[tilespmem:v16+s16+$0x0] =	vst.idx.msk $0xffff, v17;
	v16 =	vshll.u32 v40, $0x6  }
0x216: {  	v42 =	vor.u32 s22, v5;
	v17 =	vld.idx.msk [tilespmem:v41+s3+$0x0], $0xffff;
	v16 =	vor.u32 v19, v16  }
0x217: {  	v43 =	vor.u32 v42, v21;
	_ =	sdelay $0x3  }
0x218: {  	[tilespmem:v16+s16+$0x0] =	vst.idx.msk $0xffff, v17;
	v16 =	vshll.u32 v42, $0x6  }
0x219: {  	v44 =	vor.u32 s22, v7;
	v17 =	vld.idx.msk [tilespmem:v43+s3+$0x0], $0xffff;
	v16 =	vor.u32 v19, v16  }
0x21a: {  	v45 =	vor.u32 v44, v21;
	_ =	sdelay $0x3  }
0x21b: {  	[tilespmem:v16+s16+$0x0] =	vst.idx.msk $0xffff, v17;
	v16 =	vshll.u32 v44, $0x6  }
0x21c: {  	v46 =	vor.u32 s22, v8;
	v17 =	vld.idx.msk [tilespmem:v45+s3+$0x0], $0xffff;
	v16 =	vor.u32 v19, v16  }
0x21d: {  	v47 =	vor.u32 v46, v21;
	_ =	sdelay $0x3  }
0x21e: {  	[tilespmem:v16+s16+$0x0] =	vst.idx.msk $0xffff, v17;
	v16 =	vshll.u32 v46, $0x6  }
0x21f: {  	v48 =	vor.u32 s22, v6;
	v17 =	vld.idx.msk [tilespmem:v47+s3+$0x0], $0xffff;
	v16 =	vor.u32 v19, v16  }
0x220: {  	v49 =	vor.u32 v48, v21;
	_ =	sdelay $0x3  }
0x221: {  	[tilespmem:v16+s16+$0x0] =	vst.idx.msk $0xffff, v17;
	v16 =	vshll.u32 v48, $0x6  }
0x222: {  	v50 =	vor.u32 s22, v9;
	v17 =	vld.idx.msk [tilespmem:v49+s3+$0x0], $0xffff;
	v16 =	vor.u32 v19, v16  }
0x223: {  	v51 =	vor.u32 v50, v21;
	_ =	sdelay $0x3  }
0x224: {  	[tilespmem:v16+s16+$0x0] =	vst.idx.msk $0xffff, v17;
	v16 =	vshll.u32 v50, $0x6  }
0x225: {  	v52 =	vor.u32 s22, v10;
	v17 =	vld.idx.msk [tilespmem:v51+s3+$0x0], $0xffff;
	v16 =	vor.u32 v19, v16  }
0x226: {  	v53 =	vor.u32 v52, v21;
	_ =	sdelay $0x3  }
0x227: {  	[tilespmem:v16+s16+$0x0] =	vst.idx.msk $0xffff, v17;
	v16 =	vshll.u32 v52, $0x6  }
0x228: {  	v54 =	vor.u32 s22, v11;
	v17 =	vld.idx.msk [tilespmem:v53+s3+$0x0], $0xffff;
	v16 =	vor.u32 v19, v16  }
0x229: {  	v55 =	vor.u32 v54, v21;
	_ =	sdelay $0x3  }
0x22a: {  	[tilespmem:v16+s16+$0x0] =	vst.idx.msk $0xffff, v17;
	v16 =	vshll.u32 v54, $0x6  }
0x22b: {  	v56 =	vor.u32 s22, v12;
	v17 =	vld.idx.msk [tilespmem:v55+s3+$0x0], $0xffff;
	v16 =	vor.u32 v19, v16  }
0x22c: {  	v57 =	vor.u32 v56, v21;
	_ =	sdelay $0x3  }
0x22d: {  	[tilespmem:v16+s16+$0x0] =	vst.idx.msk $0xffff, v17;
	v16 =	vshll.u32 v56, $0x6  }
0x22e: {  	v58 =	vor.u32 s22, v13;
	v17 =	vld.idx.msk [tilespmem:v57+s3+$0x0], $0xffff;
	v16 =	vor.u32 v19, v16  }
0x22f: {  	v59 =	vor.u32 v58, v21;
	_ =	sdelay $0x3  }
0x230: {  	[tilespmem:v16+s16+$0x0] =	vst.idx.msk $0xffff, v17;
	v16 =	vshll.u32 v58, $0x6  }
0x231: {  	v60 =	vor.u32 s22, v14;
	v17 =	vld.idx.msk [tilespmem:v59+s3+$0x0], $0xffff;
	v16 =	vor.u32 v19, v16  }
0x232: {  	v61 =	vor.u32 v60, v21;
	_ =	sdelay $0x3  }
0x233: {  	[tilespmem:v16+s16+$0x0] =	vst.idx.msk $0xffff, v17;
	v16 =	vshll.u32 v60, $0x6  }
0x234: {  	v62 =	vor.u32 s22, v15;
	v17 =	vld.idx.msk [tilespmem:v61+s3+$0x0], $0xffff;
	v16 =	vor.u32 v19, v16  }
0x235: {  	v63 =	vor.u32 v62, v21;
	_ =	sdelay $0x3  }
0x236: {  	[tilespmem:v16+s16+$0x0] =	vst.idx.msk $0xffff, v17;
	v16 =	vshll.u32 v62, $0x6  }
0x237: {  	v17 =	vld.idx.msk [tilespmem:v63+s3+$0x0], $0xffff;
	v16 =	vor.u32 v19, v16;
	_ =	sdelay $0x1  }
.Ltmp7:
0x238: {  	_ = 	snop;
	(pc) =	sbr.rel .LBB2_11-.Ltmp7, $3  }
0x239: {  	_ =	sdelay $0x1  }
0x23a: {  	[tilespmem:v16+s16+$0x0] =	vst.idx.msk $0xffff, v17  }
0x23b: {  	[hbm4b:s10+s3] =	stream.linear.scatter [tilespmem:s16], [sflag:$0x3], $0x2000, $0x38;
	[tilespmem:$0x8000] =	vst v63  }
.LBB2_12:
0x23c: {  	_ =	sfence.sel $0x180000  }
0x23d: {  	[bflag:$0x0] =	sbarrier.arrive $0xFFFF  }
0x23e: {  	p0 =	sne.s32 s0, $0x0;
	_ =	strace $0x90000047  }
0x23f: {  	s0 =	sadd.s32 @!p0 $0x100000, s1;
	[bflag:$0x2] =	sbarrier.arrive $0xFFFF  }
0x240: {  	[sflag:s0] =	ssyncadd.tile.s32 @!p0 $0x1;
	_ =	shalt  }
.Lfunc_end2:
_tile_overlayer_lowered:
.L_overlay_start_2:
0x241: {  	(tag) =	ssettag $0x2  }
0x242: {  	s0 =	rddreg [dreg:$0x0];
	s2 =	stileid.u32  }
0x243: {  	s1 =	rddreg [dreg:$0x1];
	p0 =	sne.s32 s2, $0x0  }
0x244: {  	s3 =	rddreg [dreg:$0x2];
	[bflag:$0x3] =	sbarrier.arrive $0xFFFF;
	s2 =	simm.s32 @!p0 $0x1C05  }
0x245: {  	[timem:s3], [sflag:s2] =	dma.local @!p0 [hbm:s0], s1  }
0x246: {  	s0 =	simm.s32 @!p0 $0x5  }
0x247: {  	_ =	swait.ge @!p0 [sflag:s0], s1  }
0x248: {  	s1 =	ssub.s32 @!p0 $0x0, s1;
	[sflag:s0] =	ssyncset.done @!p0 $0x0  }
0x249: {  	[sflag:s0] =	ssyncadd.s32 @!p0 s1  }
0x24a: {  	[bflag:$0x3] =	sbarrier.arrive $0xFFFF  }
0x24b: {  	_ =	shalt  }

</sc_bundles>
